<compile_context>
chip_gen: v7x
topology: tpu7x:2x2x1
jax: 0.10.2.dev20260603
libtpu: 0.0.44.dev20260713+nightly
codegen_flags: <defaults>
</compile_context>

<pallas_src>
import jax
import jax.numpy as jnp
from jax import lax
from jax.experimental import pallas as pl
from jax.experimental.pallas import tpu as pltpu
from jax.experimental.pallas import tpu_sc as plsc

_B = 4096
_L = 200
_EMB = 64
_N = _B * _L
_NW = 32
_R = _N // _NW
_C = 200
_NCH = _R // _C
_NBUF = 4


def _emb_kernel(wt, pt, ids, pids, out, ptab,
                w0, w1, w2, w3, p0, p1, p2, p3,
                i0, i1, i2, i3, q0, q1, q2, q3,
                gw0, gw1, gw2, gw3, gp0, gp1, gp2, gp3,
                os0, os1, os2, os3, is0, is1, is2, is3):
    wbufs = [w0, w1, w2, w3]
    pbufs = [p0, p1, p2, p3]
    islt = [i0, i1, i2, i3]
    qslt = [q0, q1, q2, q3]
    gw = [gw0, gw1, gw2, gw3]
    gp = [gp0, gp1, gp2, gp3]
    osm = [os0, os1, os2, os3]
    ism = [is0, is1, is2, is3]

    wid = lax.axis_index("s") * 2 + lax.axis_index("c")
    base_b = wid * _NCH

    @pl.when(lax.axis_index("s") == 0)
    def _():
        pltpu.sync_copy(pt, ptab)
    plsc.subcore_barrier()

    def idx_descs(k, j):
        row = base_b + k
        return (pltpu.make_async_copy(ids.at[row], islt[j], ism[j]),
                pltpu.make_async_copy(pids.at[row], qslt[j], ism[j]))

    _S = 5
    _CS = _C // _S

    def gather_descs(b):
        subs = [pltpu.make_async_copy(
                    wt.at[islt[b].at[pl.ds(s * _CS, _CS)]],
                    wbufs[b].at[pl.ds(s * _CS, _CS)], gw[b])
                for s in range(_S)]
        subs.append(pltpu.make_async_copy(ptab.at[qslt[b]], pbufs[b], gp[b]))
        return subs

    def out_desc(k, b):
        return pltpu.make_async_copy(
            wbufs[b], out.at[base_b + k, :, pl.ds(0, _EMB)], osm[b])

    for k in range(4):
        da, db = idx_descs(k, k)
        da.start()
        db.start()
    for b in range(2):
        da, db = idx_descs(b, b)
        da.wait()
        db.wait()
        for d in gather_descs(b):
            d.start()

    @pl.loop(0, _NCH // _NBUF)
    def _(ko):
        for b in range(_NBUF):
            k = ko * _NBUF + b
            bn = (b + 2) % _NBUF

            @pl.when(k + 2 < _NCH)
            def _():
                da, db = idx_descs(k + 2, bn)
                da.wait()
                db.wait()

                @pl.when(k >= 2)
                def _():
                    out_desc(k - 2, bn).wait()
                for d in gather_descs(bn):
                    d.start()

            for d in gather_descs(b):
                d.wait()

            @pl.when(k + 4 < _NCH)
            def _():
                da, db = idx_descs(k + 4, b)
                da.start()
                db.start()

            @pl.loop(0, _C)
            def _(r):
                for c in range(_EMB // 16):
                    sl = pl.ds(c * 16, 16)
                    wbufs[b][r, sl] += pbufs[b][r, sl]

            out_desc(k, b).start()

    for b in range(_NBUF):
        out_desc(_NCH - _NBUF + b, b).wait()


def kernel(input_ids, position_ids, word_table, pos_table):
    ids = input_ids.astype(jnp.int32)
    pids = position_ids.astype(jnp.int32)
    mesh = plsc.VectorSubcoreMesh(core_axis_name="c", subcore_axis_name="s")
    run = pl.kernel(
        _emb_kernel,
        out_type=jax.ShapeDtypeStruct((_B, _L, 128), jnp.float32),
        mesh=mesh,
        scratch_types=(
            [pltpu.VMEM_SHARED((_L, _EMB), jnp.float32)]
            + [pltpu.VMEM((_C, _EMB), jnp.float32)] * (2 * _NBUF)
            + [pltpu.VMEM((_C,), jnp.int32)] * (2 * _NBUF)
            + [pltpu.SemaphoreType.DMA] * (4 * _NBUF)
        ),
        compiler_params=pltpu.CompilerParams(use_tc_tiling_on_sc=False),
    )
    return run(word_table, pos_table, ids, pids)[:, :, :_EMB]

# --- scband reference (transcript-rebuilt; emitter-appended) ---
"""Pipeline reference for scband-tglang-word-embeddings-21569325761022 (READ-ONLY COPY).

The authoritative reference and input builder live on the scoring server;
editing this copy changes nothing except your own understanding.
"""

import jax, jax.numpy as jnp
import numpy as np

VOCAB = 1000000
MAX_LEN = 200
EMB = 64
B = 4096
L = 200

def setup_inputs(seed: int = 0) -> dict:
    key = jax.random.key(seed)
    k1, k2, k3, k4 = jax.random.split(key, 4)
    input_ids = jax.random.randint(k1, (B, L), 0, VOCAB, dtype=jnp.int64 if jax.config.jax_enable_x64 else jnp.int32)
    position_ids = jax.random.randint(k2, (B, L), 0, MAX_LEN, dtype=jnp.int64 if jax.config.jax_enable_x64 else jnp.int32)
    word_table = jax.random.normal(k3, (VOCAB, EMB), dtype=jnp.float32) * 0.02
    pos_table = jax.random.normal(k4, (MAX_LEN, EMB), dtype=jnp.float32) * 0.02
    return {"input_ids": input_ids, "position_ids": position_ids, "word_table": word_table, "pos_table": pos_table}

def reference(input_ids, position_ids, word_table, pos_table):
    inputs_embeds = jnp.take(word_table, input_ids, axis=0)
    position_embeddings = jnp.take(pos_table, position_ids, axis=0)
    embeddings = inputs_embeds + position_embeddings
    return embeddings

if __name__ == "__main__":
    import jax
    _d = setup_inputs()
    print(jax.jit(kernel)(*tuple(_d.values())))

</pallas_src>

<mosaic_0001>
#map = affine_map<(d0, d1) -> (0, 0)>
#map1 = affine_map<(d0, d1) -> (0, 0, 0)>
module attributes {stable_mosaic.version = 14 : i64} {
  func.func @_emb_kernel(%arg0: i32, %arg1: i32, %arg2: memref<1000000x64xf32, #tpu.memory_space<hbm>>, %arg3: memref<200x64xf32, #tpu.memory_space<hbm>>, %arg4: memref<4096x200xi32, #tpu.memory_space<hbm>>, %arg5: memref<4096x200xi32, #tpu.memory_space<hbm>>, %arg6: memref<4096x200x128xf32, #tpu.memory_space<hbm>>, %arg7: memref<200x64xf32, #tpu.memory_space<vmem_shared>>, %arg8: memref<200x64xf32, #tpu.memory_space<vmem>>, %arg9: memref<200x64xf32, #tpu.memory_space<vmem>>, %arg10: memref<200x64xf32, #tpu.memory_space<vmem>>, %arg11: memref<200x64xf32, #tpu.memory_space<vmem>>, %arg12: memref<200x64xf32, #tpu.memory_space<vmem>>, %arg13: memref<200x64xf32, #tpu.memory_space<vmem>>, %arg14: memref<200x64xf32, #tpu.memory_space<vmem>>, %arg15: memref<200x64xf32, #tpu.memory_space<vmem>>, %arg16: memref<200xi32, #tpu.memory_space<vmem>>, %arg17: memref<200xi32, #tpu.memory_space<vmem>>, %arg18: memref<200xi32, #tpu.memory_space<vmem>>, %arg19: memref<200xi32, #tpu.memory_space<vmem>>, %arg20: memref<200xi32, #tpu.memory_space<vmem>>, %arg21: memref<200xi32, #tpu.memory_space<vmem>>, %arg22: memref<200xi32, #tpu.memory_space<vmem>>, %arg23: memref<200xi32, #tpu.memory_space<vmem>>, %arg24: memref<!tpu.dma_semaphore, #tpu.memory_space<semaphore_mem>>, %arg25: memref<!tpu.dma_semaphore, #tpu.memory_space<semaphore_mem>>, %arg26: memref<!tpu.dma_semaphore, #tpu.memory_space<semaphore_mem>>, %arg27: memref<!tpu.dma_semaphore, #tpu.memory_space<semaphore_mem>>, %arg28: memref<!tpu.dma_semaphore, #tpu.memory_space<semaphore_mem>>, %arg29: memref<!tpu.dma_semaphore, #tpu.memory_space<semaphore_mem>>, %arg30: memref<!tpu.dma_semaphore, #tpu.memory_space<semaphore_mem>>, %arg31: memref<!tpu.dma_semaphore, #tpu.memory_space<semaphore_mem>>, %arg32: memref<!tpu.dma_semaphore, #tpu.memory_space<semaphore_mem>>, %arg33: memref<!tpu.dma_semaphore, #tpu.memory_space<semaphore_mem>>, %arg34: memref<!tpu.dma_semaphore, #tpu.memory_space<semaphore_mem>>, %arg35: memref<!tpu.dma_semaphore, #tpu.memory_space<semaphore_mem>>, %arg36: memref<!tpu.dma_semaphore, #tpu.memory_space<semaphore_mem>>, %arg37: memref<!tpu.dma_semaphore, #tpu.memory_space<semaphore_mem>>, %arg38: memref<!tpu.dma_semaphore, #tpu.memory_space<semaphore_mem>>, %arg39: memref<!tpu.dma_semaphore, #tpu.memory_space<semaphore_mem>>) attributes {dimension_semantics = [#tpu.dimension_semantics<core_parallel>, #tpu.dimension_semantics<subcore_parallel>], iteration_bounds = array<i64: 2, 16>, scalar_prefetch = 0 : i64, scratch_operands = 33 : i64, tpu.core_type = #tpu.core_type<sc_vector_subcore>, window_params = [{transform_indices = #map}, {transform_indices = #map}, {transform_indices = #map}, {transform_indices = #map}, {transform_indices = #map1}]} {
    %mul3A = arith.constant 2 : i32
    %mul3A_0 = arith.muli %arg1, %mul3A : i32
    %add3A = arith.addi %mul3A_0, %arg0 : i32
    %mul3A_1 = arith.constant 128 : i32
    %mul3A_2 = arith.muli %add3A, %mul3A_1 : i32
    %eq3A = arith.constant 0 : i32
    %eq3A_3 = arith.cmpi eq, %arg1, %eq3A : i32
    %convert_element_type3A = arith.extui %eq3A_3 : i1 to i32
    %cond3A = arith.constant 0 : i32
    %cond3A_4 = arith.cmpi ne, %convert_element_type3A, %cond3A : i32
    scf.if %cond3A_4 {
      "tpu.region"() ({
        %run_scoped3A = tpu.sem_alloc : memref<!tpu.dma_semaphore, #tpu.memory_space<semaphore_mem>>
        tpu.enqueue_dma source(%arg3 : memref<200x64xf32, #tpu.memory_space<hbm>>) target(%arg7 : memref<200x64xf32, #tpu.memory_space<vmem_shared>>) target_semaphore(%run_scoped3A : memref<!tpu.dma_semaphore, #tpu.memory_space<semaphore_mem>>)
        tpu.wait_dma2 semaphore(%run_scoped3A : memref<!tpu.dma_semaphore, #tpu.memory_space<semaphore_mem>>) src(%arg3 : memref<200x64xf32, #tpu.memory_space<hbm>>) dst(%arg7 : memref<200x64xf32, #tpu.memory_space<vmem_shared>>)
        tpu.yield
      }) : () -> ()
    } else {
    }
    %barrier3A = arith.constant 0 : index
    tpu.barrier barrier_id(%barrier3A)
    %add3A_5 = arith.constant 0 : i32
    %add3A_6 = arith.addi %mul3A_2, %add3A_5 : i32
    %dma_start3A = arith.constant 0 : i32
    %dma_start3A_7 = tpu.memref_slice %arg4[%add3A_6, %dma_start3A] : memref<4096x200xi32, #tpu.memory_space<hbm>> -> memref<1x200xi32, #tpu.memory_space<hbm>>
    %dma_start3A_8 = tpu.memref_squeeze %dma_start3A_7 : memref<1x200xi32, #tpu.memory_space<hbm>> -> memref<200xi32, #tpu.memory_space<hbm>>
    %dma_start3A_9 = arith.constant 0 : i32
    %dma_start3A_10 = tpu.memref_slice %arg4[%add3A_6, %dma_start3A_9] : memref<4096x200xi32, #tpu.memory_space<hbm>> -> memref<1x200xi32, #tpu.memory_space<hbm>>
    %dma_start3A_11 = tpu.memref_squeeze %dma_start3A_10 : memref<1x200xi32, #tpu.memory_space<hbm>> -> memref<200xi32, #tpu.memory_space<hbm>>
    tpu.enqueue_dma source(%dma_start3A_11 : memref<200xi32, #tpu.memory_space<hbm>>) target(%arg16 : memref<200xi32, #tpu.memory_space<vmem>>) target_semaphore(%arg36 : memref<!tpu.dma_semaphore, #tpu.memory_space<semaphore_mem>>)
    %dma_start3A_12 = arith.constant 0 : i32
    %dma_start3A_13 = tpu.memref_slice %arg5[%add3A_6, %dma_start3A_12] : memref<4096x200xi32, #tpu.memory_space<hbm>> -> memref<1x200xi32, #tpu.memory_space<hbm>>
    %dma_start3A_14 = tpu.memref_squeeze %dma_start3A_13 : memref<1x200xi32, #tpu.memory_space<hbm>> -> memref<200xi32, #tpu.memory_space<hbm>>
    %dma_start3A_15 = arith.constant 0 : i32
    %dma_start3A_16 = tpu.memref_slice %arg5[%add3A_6, %dma_start3A_15] : memref<4096x200xi32, #tpu.memory_space<hbm>> -> memref<1x200xi32, #tpu.memory_space<hbm>>
    %dma_start3A_17 = tpu.memref_squeeze %dma_start3A_16 : memref<1x200xi32, #tpu.memory_space<hbm>> -> memref<200xi32, #tpu.memory_space<hbm>>
    tpu.enqueue_dma source(%dma_start3A_17 : memref<200xi32, #tpu.memory_space<hbm>>) target(%arg20 : memref<200xi32, #tpu.memory_space<vmem>>) target_semaphore(%arg36 : memref<!tpu.dma_semaphore, #tpu.memory_space<semaphore_mem>>)
    %add3A_18 = arith.constant 1 : i32
    %add3A_19 = arith.addi %mul3A_2, %add3A_18 : i32
    %dma_start3A_20 = arith.constant 0 : i32
    %dma_start3A_21 = tpu.memref_slice %arg4[%add3A_19, %dma_start3A_20] : memref<4096x200xi32, #tpu.memory_space<hbm>> -> memref<1x200xi32, #tpu.memory_space<hbm>>
    %dma_start3A_22 = tpu.memref_squeeze %dma_start3A_21 : memref<1x200xi32, #tpu.memory_space<hbm>> -> memref<200xi32, #tpu.memory_space<hbm>>
    %dma_start3A_23 = arith.constant 0 : i32
    %dma_start3A_24 = tpu.memref_slice %arg4[%add3A_19, %dma_start3A_23] : memref<4096x200xi32, #tpu.memory_space<hbm>> -> memref<1x200xi32, #tpu.memory_space<hbm>>
    %dma_start3A_25 = tpu.memref_squeeze %dma_start3A_24 : memref<1x200xi32, #tpu.memory_space<hbm>> -> memref<200xi32, #tpu.memory_space<hbm>>
    tpu.enqueue_dma source(%dma_start3A_25 : memref<200xi32, #tpu.memory_space<hbm>>) target(%arg17 : memref<200xi32, #tpu.memory_space<vmem>>) target_semaphore(%arg37 : memref<!tpu.dma_semaphore, #tpu.memory_space<semaphore_mem>>)
    %dma_start3A_26 = arith.constant 0 : i32
    %dma_start3A_27 = tpu.memref_slice %arg5[%add3A_19, %dma_start3A_26] : memref<4096x200xi32, #tpu.memory_space<hbm>> -> memref<1x200xi32, #tpu.memory_space<hbm>>
    %dma_start3A_28 = tpu.memref_squeeze %dma_start3A_27 : memref<1x200xi32, #tpu.memory_space<hbm>> -> memref<200xi32, #tpu.memory_space<hbm>>
    %dma_start3A_29 = arith.constant 0 : i32
    %dma_start3A_30 = tpu.memref_slice %arg5[%add3A_19, %dma_start3A_29] : memref<4096x200xi32, #tpu.memory_space<hbm>> -> memref<1x200xi32, #tpu.memory_space<hbm>>
    %dma_start3A_31 = tpu.memref_squeeze %dma_start3A_30 : memref<1x200xi32, #tpu.memory_space<hbm>> -> memref<200xi32, #tpu.memory_space<hbm>>
    tpu.enqueue_dma source(%dma_start3A_31 : memref<200xi32, #tpu.memory_space<hbm>>) target(%arg21 : memref<200xi32, #tpu.memory_space<vmem>>) target_semaphore(%arg37 : memref<!tpu.dma_semaphore, #tpu.memory_space<semaphore_mem>>)
    %add3A_32 = arith.constant 2 : i32
    %add3A_33 = arith.addi %mul3A_2, %add3A_32 : i32
    %dma_start3A_34 = arith.constant 0 : i32
    %dma_start3A_35 = tpu.memref_slice %arg4[%add3A_33, %dma_start3A_34] : memref<4096x200xi32, #tpu.memory_space<hbm>> -> memref<1x200xi32, #tpu.memory_space<hbm>>
    %dma_start3A_36 = tpu.memref_squeeze %dma_start3A_35 : memref<1x200xi32, #tpu.memory_space<hbm>> -> memref<200xi32, #tpu.memory_space<hbm>>
    %dma_start3A_37 = arith.constant 0 : i32
    %dma_start3A_38 = tpu.memref_slice %arg4[%add3A_33, %dma_start3A_37] : memref<4096x200xi32, #tpu.memory_space<hbm>> -> memref<1x200xi32, #tpu.memory_space<hbm>>
    %dma_start3A_39 = tpu.memref_squeeze %dma_start3A_38 : memref<1x200xi32, #tpu.memory_space<hbm>> -> memref<200xi32, #tpu.memory_space<hbm>>
    tpu.enqueue_dma source(%dma_start3A_39 : memref<200xi32, #tpu.memory_space<hbm>>) target(%arg18 : memref<200xi32, #tpu.memory_space<vmem>>) target_semaphore(%arg38 : memref<!tpu.dma_semaphore, #tpu.memory_space<semaphore_mem>>)
    %dma_start3A_40 = arith.constant 0 : i32
    %dma_start3A_41 = tpu.memref_slice %arg5[%add3A_33, %dma_start3A_40] : memref<4096x200xi32, #tpu.memory_space<hbm>> -> memref<1x200xi32, #tpu.memory_space<hbm>>
    %dma_start3A_42 = tpu.memref_squeeze %dma_start3A_41 : memref<1x200xi32, #tpu.memory_space<hbm>> -> memref<200xi32, #tpu.memory_space<hbm>>
    %dma_start3A_43 = arith.constant 0 : i32
    %dma_start3A_44 = tpu.memref_slice %arg5[%add3A_33, %dma_start3A_43] : memref<4096x200xi32, #tpu.memory_space<hbm>> -> memref<1x200xi32, #tpu.memory_space<hbm>>
    %dma_start3A_45 = tpu.memref_squeeze %dma_start3A_44 : memref<1x200xi32, #tpu.memory_space<hbm>> -> memref<200xi32, #tpu.memory_space<hbm>>
    tpu.enqueue_dma source(%dma_start3A_45 : memref<200xi32, #tpu.memory_space<hbm>>) target(%arg22 : memref<200xi32, #tpu.memory_space<vmem>>) target_semaphore(%arg38 : memref<!tpu.dma_semaphore, #tpu.memory_space<semaphore_mem>>)
    %add3A_46 = arith.constant 3 : i32
    %add3A_47 = arith.addi %mul3A_2, %add3A_46 : i32
    %dma_start3A_48 = arith.constant 0 : i32
    %dma_start3A_49 = tpu.memref_slice %arg4[%add3A_47, %dma_start3A_48] : memref<4096x200xi32, #tpu.memory_space<hbm>> -> memref<1x200xi32, #tpu.memory_space<hbm>>
    %dma_start3A_50 = tpu.memref_squeeze %dma_start3A_49 : memref<1x200xi32, #tpu.memory_space<hbm>> -> memref<200xi32, #tpu.memory_space<hbm>>
    %dma_start3A_51 = arith.constant 0 : i32
    %dma_start3A_52 = tpu.memref_slice %arg4[%add3A_47, %dma_start3A_51] : memref<4096x200xi32, #tpu.memory_space<hbm>> -> memref<1x200xi32, #tpu.memory_space<hbm>>
    %dma_start3A_53 = tpu.memref_squeeze %dma_start3A_52 : memref<1x200xi32, #tpu.memory_space<hbm>> -> memref<200xi32, #tpu.memory_space<hbm>>
    tpu.enqueue_dma source(%dma_start3A_53 : memref<200xi32, #tpu.memory_space<hbm>>) target(%arg19 : memref<200xi32, #tpu.memory_space<vmem>>) target_semaphore(%arg39 : memref<!tpu.dma_semaphore, #tpu.memory_space<semaphore_mem>>)
    %dma_start3A_54 = arith.constant 0 : i32
    %dma_start3A_55 = tpu.memref_slice %arg5[%add3A_47, %dma_start3A_54] : memref<4096x200xi32, #tpu.memory_space<hbm>> -> memref<1x200xi32, #tpu.memory_space<hbm>>
    %dma_start3A_56 = tpu.memref_squeeze %dma_start3A_55 : memref<1x200xi32, #tpu.memory_space<hbm>> -> memref<200xi32, #tpu.memory_space<hbm>>
    %dma_start3A_57 = arith.constant 0 : i32
    %dma_start3A_58 = tpu.memref_slice %arg5[%add3A_47, %dma_start3A_57] : memref<4096x200xi32, #tpu.memory_space<hbm>> -> memref<1x200xi32, #tpu.memory_space<hbm>>
    %dma_start3A_59 = tpu.memref_squeeze %dma_start3A_58 : memref<1x200xi32, #tpu.memory_space<hbm>> -> memref<200xi32, #tpu.memory_space<hbm>>
    tpu.enqueue_dma source(%dma_start3A_59 : memref<200xi32, #tpu.memory_space<hbm>>) target(%arg23 : memref<200xi32, #tpu.memory_space<vmem>>) target_semaphore(%arg39 : memref<!tpu.dma_semaphore, #tpu.memory_space<semaphore_mem>>)
    %add3A_60 = arith.constant 0 : i32
    %add3A_61 = arith.addi %mul3A_2, %add3A_60 : i32
    %dma_wait3A = arith.constant 0 : i32
    %dma_wait3A_62 = tpu.memref_slice %arg4[%add3A_61, %dma_wait3A] : memref<4096x200xi32, #tpu.memory_space<hbm>> -> memref<1x200xi32, #tpu.memory_space<hbm>>
    %dma_wait3A_63 = tpu.memref_squeeze %dma_wait3A_62 : memref<1x200xi32, #tpu.memory_space<hbm>> -> memref<200xi32, #tpu.memory_space<hbm>>
    %dma_wait3A_64 = arith.constant 0 : i32
    %dma_wait3A_65 = tpu.memref_slice %arg4[%add3A_61, %dma_wait3A_64] : memref<4096x200xi32, #tpu.memory_space<hbm>> -> memref<1x200xi32, #tpu.memory_space<hbm>>
    %dma_wait3A_66 = tpu.memref_squeeze %dma_wait3A_65 : memref<1x200xi32, #tpu.memory_space<hbm>> -> memref<200xi32, #tpu.memory_space<hbm>>
    tpu.wait_dma2 semaphore(%arg36 : memref<!tpu.dma_semaphore, #tpu.memory_space<semaphore_mem>>) src(%dma_wait3A_66 : memref<200xi32, #tpu.memory_space<hbm>>) dst(%arg16 : memref<200xi32, #tpu.memory_space<vmem>>)
    %dma_wait3A_67 = arith.constant 0 : i32
    %dma_wait3A_68 = tpu.memref_slice %arg5[%add3A_61, %dma_wait3A_67] : memref<4096x200xi32, #tpu.memory_space<hbm>> -> memref<1x200xi32, #tpu.memory_space<hbm>>
    %dma_wait3A_69 = tpu.memref_squeeze %dma_wait3A_68 : memref<1x200xi32, #tpu.memory_space<hbm>> -> memref<200xi32, #tpu.memory_space<hbm>>
    %dma_wait3A_70 = arith.constant 0 : i32
    %dma_wait3A_71 = tpu.memref_slice %arg5[%add3A_61, %dma_wait3A_70] : memref<4096x200xi32, #tpu.memory_space<hbm>> -> memref<1x200xi32, #tpu.memory_space<hbm>>
    %dma_wait3A_72 = tpu.memref_squeeze %dma_wait3A_71 : memref<1x200xi32, #tpu.memory_space<hbm>> -> memref<200xi32, #tpu.memory_space<hbm>>
    tpu.wait_dma2 semaphore(%arg36 : memref<!tpu.dma_semaphore, #tpu.memory_space<semaphore_mem>>) src(%dma_wait3A_72 : memref<200xi32, #tpu.memory_space<hbm>>) dst(%arg20 : memref<200xi32, #tpu.memory_space<vmem>>)
    %dma_start3A_73 = arith.constant 0 : i32
    %dma_start3A_74 = arith.constant 0 : i32
    %dma_start3A_75 = tpu.memref_slice %arg8[%dma_start3A_73, %dma_start3A_74] : memref<200x64xf32, #tpu.memory_space<vmem>> -> memref<40x64xf32, #tpu.memory_space<vmem>>
    %dma_start3A_76 = arith.constant 0 : i32
    %dma_start3A_77 = tpu.memref_slice %arg16[%dma_start3A_76] : memref<200xi32, #tpu.memory_space<vmem>> -> memref<40xi32, #tpu.memory_space<vmem>>
    %dma_start3A_78 = arith.constant 0 : i32
    %dma_start3A_79 = arith.constant 0 : i32
    %dma_start3A_80 = tpu.memref_slice %arg2[%dma_start3A_78, %dma_start3A_79] : memref<1000000x64xf32, #tpu.memory_space<hbm>> -> memref<1000000x64xf32, #tpu.memory_space<hbm>>
    tpu.enqueue_indirect_dma source(%dma_start3A_80 : memref<1000000x64xf32, #tpu.memory_space<hbm>>) target(%dma_start3A_75 : memref<40x64xf32, #tpu.memory_space<vmem>>) offsets(%dma_start3A_77 : memref<40xi32, #tpu.memory_space<vmem>>) semaphore(%arg24 : memref<!tpu.dma_semaphore, #tpu.memory_space<semaphore_mem>>)
    %dma_start3A_81 = arith.constant 40 : i32
    %dma_start3A_82 = arith.constant 0 : i32
    %dma_start3A_83 = tpu.memref_slice %arg8[%dma_start3A_81, %dma_start3A_82] : memref<200x64xf32, #tpu.memory_space<vmem>> -> memref<40x64xf32, #tpu.memory_space<vmem>>
    %dma_start3A_84 = arith.constant 40 : i32
    %dma_start3A_85 = tpu.memref_slice %arg16[%dma_start3A_84] : memref<200xi32, #tpu.memory_space<vmem>> -> memref<40xi32, #tpu.memory_space<vmem>>
    %dma_start3A_86 = arith.constant 0 : i32
    %dma_start3A_87 = arith.constant 0 : i32
    %dma_start3A_88 = tpu.memref_slice %arg2[%dma_start3A_86, %dma_start3A_87] : memref<1000000x64xf32, #tpu.memory_space<hbm>> -> memref<1000000x64xf32, #tpu.memory_space<hbm>>
    tpu.enqueue_indirect_dma source(%dma_start3A_88 : memref<1000000x64xf32, #tpu.memory_space<hbm>>) target(%dma_start3A_83 : memref<40x64xf32, #tpu.memory_space<vmem>>) offsets(%dma_start3A_85 : memref<40xi32, #tpu.memory_space<vmem>>) semaphore(%arg24 : memref<!tpu.dma_semaphore, #tpu.memory_space<semaphore_mem>>)
    %dma_start3A_89 = arith.constant 80 : i32
    %dma_start3A_90 = arith.constant 0 : i32
    %dma_start3A_91 = tpu.memref_slice %arg8[%dma_start3A_89, %dma_start3A_90] : memref<200x64xf32, #tpu.memory_space<vmem>> -> memref<40x64xf32, #tpu.memory_space<vmem>>
    %dma_start3A_92 = arith.constant 80 : i32
    %dma_start3A_93 = tpu.memref_slice %arg16[%dma_start3A_92] : memref<200xi32, #tpu.memory_space<vmem>> -> memref<40xi32, #tpu.memory_space<vmem>>
    %dma_start3A_94 = arith.constant 0 : i32
    %dma_start3A_95 = arith.constant 0 : i32
    %dma_start3A_96 = tpu.memref_slice %arg2[%dma_start3A_94, %dma_start3A_95] : memref<1000000x64xf32, #tpu.memory_space<hbm>> -> memref<1000000x64xf32, #tpu.memory_space<hbm>>
    tpu.enqueue_indirect_dma source(%dma_start3A_96 : memref<1000000x64xf32, #tpu.memory_space<hbm>>) target(%dma_start3A_91 : memref<40x64xf32, #tpu.memory_space<vmem>>) offsets(%dma_start3A_93 : memref<40xi32, #tpu.memory_space<vmem>>) semaphore(%arg24 : memref<!tpu.dma_semaphore, #tpu.memory_space<semaphore_mem>>)
    %dma_start3A_97 = arith.constant 120 : i32
    %dma_start3A_98 = arith.constant 0 : i32
    %dma_start3A_99 = tpu.memref_slice %arg8[%dma_start3A_97, %dma_start3A_98] : memref<200x64xf32, #tpu.memory_space<vmem>> -> memref<40x64xf32, #tpu.memory_space<vmem>>
    %dma_start3A_100 = arith.constant 120 : i32
    %dma_start3A_101 = tpu.memref_slice %arg16[%dma_start3A_100] : memref<200xi32, #tpu.memory_space<vmem>> -> memref<40xi32, #tpu.memory_space<vmem>>
    %dma_start3A_102 = arith.constant 0 : i32
    %dma_start3A_103 = arith.constant 0 : i32
    %dma_start3A_104 = tpu.memref_slice %arg2[%dma_start3A_102, %dma_start3A_103] : memref<1000000x64xf32, #tpu.memory_space<hbm>> -> memref<1000000x64xf32, #tpu.memory_space<hbm>>
    tpu.enqueue_indirect_dma source(%dma_start3A_104 : memref<1000000x64xf32, #tpu.memory_space<hbm>>) target(%dma_start3A_99 : memref<40x64xf32, #tpu.memory_space<vmem>>) offsets(%dma_start3A_101 : memref<40xi32, #tpu.memory_space<vmem>>) semaphore(%arg24 : memref<!tpu.dma_semaphore, #tpu.memory_space<semaphore_mem>>)
    %dma_start3A_105 = arith.constant 160 : i32
    %dma_start3A_106 = arith.constant 0 : i32
    %dma_start3A_107 = tpu.memref_slice %arg8[%dma_start3A_105, %dma_start3A_106] : memref<200x64xf32, #tpu.memory_space<vmem>> -> memref<40x64xf32, #tpu.memory_space<vmem>>
    %dma_start3A_108 = arith.constant 160 : i32
    %dma_start3A_109 = tpu.memref_slice %arg16[%dma_start3A_108] : memref<200xi32, #tpu.memory_space<vmem>> -> memref<40xi32, #tpu.memory_space<vmem>>
    %dma_start3A_110 = arith.constant 0 : i32
    %dma_start3A_111 = arith.constant 0 : i32
    %dma_start3A_112 = tpu.memref_slice %arg2[%dma_start3A_110, %dma_start3A_111] : memref<1000000x64xf32, #tpu.memory_space<hbm>> -> memref<1000000x64xf32, #tpu.memory_space<hbm>>
    tpu.enqueue_indirect_dma source(%dma_start3A_112 : memref<1000000x64xf32, #tpu.memory_space<hbm>>) target(%dma_start3A_107 : memref<40x64xf32, #tpu.memory_space<vmem>>) offsets(%dma_start3A_109 : memref<40xi32, #tpu.memory_space<vmem>>) semaphore(%arg24 : memref<!tpu.dma_semaphore, #tpu.memory_space<semaphore_mem>>)
    %dma_start3A_113 = arith.constant 0 : i32
    %dma_start3A_114 = arith.constant 0 : i32
    %dma_start3A_115 = tpu.memref_slice %arg7[%dma_start3A_113, %dma_start3A_114] : memref<200x64xf32, #tpu.memory_space<vmem_shared>> -> memref<200x64xf32, #tpu.memory_space<vmem_shared>>
    tpu.enqueue_indirect_dma source(%dma_start3A_115 : memref<200x64xf32, #tpu.memory_space<vmem_shared>>) target(%arg12 : memref<200x64xf32, #tpu.memory_space<vmem>>) offsets(%arg20 : memref<200xi32, #tpu.memory_space<vmem>>) semaphore(%arg28 : memref<!tpu.dma_semaphore, #tpu.memory_space<semaphore_mem>>)
    %add3A_116 = arith.constant 1 : i32
    %add3A_117 = arith.addi %mul3A_2, %add3A_116 : i32
    %dma_wait3A_118 = arith.constant 0 : i32
    %dma_wait3A_119 = tpu.memref_slice %arg4[%add3A_117, %dma_wait3A_118] : memref<4096x200xi32, #tpu.memory_space<hbm>> -> memref<1x200xi32, #tpu.memory_space<hbm>>
    %dma_wait3A_120 = tpu.memref_squeeze %dma_wait3A_119 : memref<1x200xi32, #tpu.memory_space<hbm>> -> memref<200xi32, #tpu.memory_space<hbm>>
    %dma_wait3A_121 = arith.constant 0 : i32
    %dma_wait3A_122 = tpu.memref_slice %arg4[%add3A_117, %dma_wait3A_121] : memref<4096x200xi32, #tpu.memory_space<hbm>> -> memref<1x200xi32, #tpu.memory_space<hbm>>
    %dma_wait3A_123 = tpu.memref_squeeze %dma_wait3A_122 : memref<1x200xi32, #tpu.memory_space<hbm>> -> memref<200xi32, #tpu.memory_space<hbm>>
    tpu.wait_dma2 semaphore(%arg37 : memref<!tpu.dma_semaphore, #tpu.memory_space<semaphore_mem>>) src(%dma_wait3A_123 : memref<200xi32, #tpu.memory_space<hbm>>) dst(%arg17 : memref<200xi32, #tpu.memory_space<vmem>>)
    %dma_wait3A_124 = arith.constant 0 : i32
    %dma_wait3A_125 = tpu.memref_slice %arg5[%add3A_117, %dma_wait3A_124] : memref<4096x200xi32, #tpu.memory_space<hbm>> -> memref<1x200xi32, #tpu.memory_space<hbm>>
    %dma_wait3A_126 = tpu.memref_squeeze %dma_wait3A_125 : memref<1x200xi32, #tpu.memory_space<hbm>> -> memref<200xi32, #tpu.memory_space<hbm>>
    %dma_wait3A_127 = arith.constant 0 : i32
    %dma_wait3A_128 = tpu.memref_slice %arg5[%add3A_117, %dma_wait3A_127] : memref<4096x200xi32, #tpu.memory_space<hbm>> -> memref<1x200xi32, #tpu.memory_space<hbm>>
    %dma_wait3A_129 = tpu.memref_squeeze %dma_wait3A_128 : memref<1x200xi32, #tpu.memory_space<hbm>> -> memref<200xi32, #tpu.memory_space<hbm>>
    tpu.wait_dma2 semaphore(%arg37 : memref<!tpu.dma_semaphore, #tpu.memory_space<semaphore_mem>>) src(%dma_wait3A_129 : memref<200xi32, #tpu.memory_space<hbm>>) dst(%arg21 : memref<200xi32, #tpu.memory_space<vmem>>)
    %dma_start3A_130 = arith.constant 0 : i32
    %dma_start3A_131 = arith.constant 0 : i32
    %dma_start3A_132 = tpu.memref_slice %arg9[%dma_start3A_130, %dma_start3A_131] : memref<200x64xf32, #tpu.memory_space<vmem>> -> memref<40x64xf32, #tpu.memory_space<vmem>>
    %dma_start3A_133 = arith.constant 0 : i32
    %dma_start3A_134 = tpu.memref_slice %arg17[%dma_start3A_133] : memref<200xi32, #tpu.memory_space<vmem>> -> memref<40xi32, #tpu.memory_space<vmem>>
    %dma_start3A_135 = arith.constant 0 : i32
    %dma_start3A_136 = arith.constant 0 : i32
    %dma_start3A_137 = tpu.memref_slice %arg2[%dma_start3A_135, %dma_start3A_136] : memref<1000000x64xf32, #tpu.memory_space<hbm>> -> memref<1000000x64xf32, #tpu.memory_space<hbm>>
    tpu.enqueue_indirect_dma source(%dma_start3A_137 : memref<1000000x64xf32, #tpu.memory_space<hbm>>) target(%dma_start3A_132 : memref<40x64xf32, #tpu.memory_space<vmem>>) offsets(%dma_start3A_134 : memref<40xi32, #tpu.memory_space<vmem>>) semaphore(%arg25 : memref<!tpu.dma_semaphore, #tpu.memory_space<semaphore_mem>>)
    %dma_start3A_138 = arith.constant 40 : i32
    %dma_start3A_139 = arith.constant 0 : i32
    %dma_start3A_140 = tpu.memref_slice %arg9[%dma_start3A_138, %dma_start3A_139] : memref<200x64xf32, #tpu.memory_space<vmem>> -> memref<40x64xf32, #tpu.memory_space<vmem>>
    %dma_start3A_141 = arith.constant 40 : i32
    %dma_start3A_142 = tpu.memref_slice %arg17[%dma_start3A_141] : memref<200xi32, #tpu.memory_space<vmem>> -> memref<40xi32, #tpu.memory_space<vmem>>
    %dma_start3A_143 = arith.constant 0 : i32
    %dma_start3A_144 = arith.constant 0 : i32
    %dma_start3A_145 = tpu.memref_slice %arg2[%dma_start3A_143, %dma_start3A_144] : memref<1000000x64xf32, #tpu.memory_space<hbm>> -> memref<1000000x64xf32, #tpu.memory_space<hbm>>
    tpu.enqueue_indirect_dma source(%dma_start3A_145 : memref<1000000x64xf32, #tpu.memory_space<hbm>>) target(%dma_start3A_140 : memref<40x64xf32, #tpu.memory_space<vmem>>) offsets(%dma_start3A_142 : memref<40xi32, #tpu.memory_space<vmem>>) semaphore(%arg25 : memref<!tpu.dma_semaphore, #tpu.memory_space<semaphore_mem>>)
    %dma_start3A_146 = arith.constant 80 : i32
    %dma_start3A_147 = arith.constant 0 : i32
    %dma_start3A_148 = tpu.memref_slice %arg9[%dma_start3A_146, %dma_start3A_147] : memref<200x64xf32, #tpu.memory_space<vmem>> -> memref<40x64xf32, #tpu.memory_space<vmem>>
    %dma_start3A_149 = arith.constant 80 : i32
    %dma_start3A_150 = tpu.memref_slice %arg17[%dma_start3A_149] : memref<200xi32, #tpu.memory_space<vmem>> -> memref<40xi32, #tpu.memory_space<vmem>>
    %dma_start3A_151 = arith.constant 0 : i32
    %dma_start3A_152 = arith.constant 0 : i32
    %dma_start3A_153 = tpu.memref_slice %arg2[%dma_start3A_151, %dma_start3A_152] : memref<1000000x64xf32, #tpu.memory_space<hbm>> -> memref<1000000x64xf32, #tpu.memory_space<hbm>>
    tpu.enqueue_indirect_dma source(%dma_start3A_153 : memref<1000000x64xf32, #tpu.memory_space<hbm>>) target(%dma_start3A_148 : memref<40x64xf32, #tpu.memory_space<vmem>>) offsets(%dma_start3A_150 : memref<40xi32, #tpu.memory_space<vmem>>) semaphore(%arg25 : memref<!tpu.dma_semaphore, #tpu.memory_space<semaphore_mem>>)
    %dma_start3A_154 = arith.constant 120 : i32
    %dma_start3A_155 = arith.constant 0 : i32
    %dma_start3A_156 = tpu.memref_slice %arg9[%dma_start3A_154, %dma_start3A_155] : memref<200x64xf32, #tpu.memory_space<vmem>> -> memref<40x64xf32, #tpu.memory_space<vmem>>
    %dma_start3A_157 = arith.constant 120 : i32
    %dma_start3A_158 = tpu.memref_slice %arg17[%dma_start3A_157] : memref<200xi32, #tpu.memory_space<vmem>> -> memref<40xi32, #tpu.memory_space<vmem>>
    %dma_start3A_159 = arith.constant 0 : i32
    %dma_start3A_160 = arith.constant 0 : i32
    %dma_start3A_161 = tpu.memref_slice %arg2[%dma_start3A_159, %dma_start3A_160] : memref<1000000x64xf32, #tpu.memory_space<hbm>> -> memref<1000000x64xf32, #tpu.memory_space<hbm>>
    tpu.enqueue_indirect_dma source(%dma_start3A_161 : memref<1000000x64xf32, #tpu.memory_space<hbm>>) target(%dma_start3A_156 : memref<40x64xf32, #tpu.memory_space<vmem>>) offsets(%dma_start3A_158 : memref<40xi32, #tpu.memory_space<vmem>>) semaphore(%arg25 : memref<!tpu.dma_semaphore, #tpu.memory_space<semaphore_mem>>)
    %dma_start3A_162 = arith.constant 160 : i32
    %dma_start3A_163 = arith.constant 0 : i32
    %dma_start3A_164 = tpu.memref_slice %arg9[%dma_start3A_162, %dma_start3A_163] : memref<200x64xf32, #tpu.memory_space<vmem>> -> memref<40x64xf32, #tpu.memory_space<vmem>>
    %dma_start3A_165 = arith.constant 160 : i32
    %dma_start3A_166 = tpu.memref_slice %arg17[%dma_start3A_165] : memref<200xi32, #tpu.memory_space<vmem>> -> memref<40xi32, #tpu.memory_space<vmem>>
    %dma_start3A_167 = arith.constant 0 : i32
    %dma_start3A_168 = arith.constant 0 : i32
    %dma_start3A_169 = tpu.memref_slice %arg2[%dma_start3A_167, %dma_start3A_168] : memref<1000000x64xf32, #tpu.memory_space<hbm>> -> memref<1000000x64xf32, #tpu.memory_space<hbm>>
    tpu.enqueue_indirect_dma source(%dma_start3A_169 : memref<1000000x64xf32, #tpu.memory_space<hbm>>) target(%dma_start3A_164 : memref<40x64xf32, #tpu.memory_space<vmem>>) offsets(%dma_start3A_166 : memref<40xi32, #tpu.memory_space<vmem>>) semaphore(%arg25 : memref<!tpu.dma_semaphore, #tpu.memory_space<semaphore_mem>>)
    %dma_start3A_170 = arith.constant 0 : i32
    %dma_start3A_171 = arith.constant 0 : i32
    %dma_start3A_172 = tpu.memref_slice %arg7[%dma_start3A_170, %dma_start3A_171] : memref<200x64xf32, #tpu.memory_space<vmem_shared>> -> memref<200x64xf32, #tpu.memory_space<vmem_shared>>
    tpu.enqueue_indirect_dma source(%dma_start3A_172 : memref<200x64xf32, #tpu.memory_space<vmem_shared>>) target(%arg13 : memref<200x64xf32, #tpu.memory_space<vmem>>) offsets(%arg21 : memref<200xi32, #tpu.memory_space<vmem>>) semaphore(%arg29 : memref<!tpu.dma_semaphore, #tpu.memory_space<semaphore_mem>>)
    %scan3A = arith.constant 0 : i32
    %scan3A_173 = arith.constant 32 : i32
    %scan3A_174 = arith.addi %scan3A, %scan3A_173 : i32
    %scan3A_175 = arith.constant 1 : i32
    scf.for %scan3A_217 = %scan3A to %scan3A_174 step %scan3A_175  : i32 {
      %mul3A_218 = arith.constant 1 : i32
      %mul3A_219 = arith.muli %scan3A_217, %mul3A_218 : i32
      %add3A_220 = arith.constant 0 : i32
      %add3A_221 = arith.addi %add3A_220, %mul3A_219 : i32
      %mul3A_222 = arith.constant 4 : i32
      %mul3A_223 = arith.muli %add3A_221, %mul3A_222 : i32
      %add3A_224 = arith.constant 0 : i32
      %add3A_225 = arith.addi %mul3A_223, %add3A_224 : i32
      %add3A_226 = arith.constant 2 : i32
      %add3A_227 = arith.addi %add3A_225, %add3A_226 : i32
      %lt3A = arith.constant 128 : i32
      %lt3A_228 = arith.cmpi slt, %add3A_227, %lt3A : i32
      %convert_element_type3A_229 = arith.extui %lt3A_228 : i1 to i32
      %cond3A_230 = arith.constant 0 : i32
      %cond3A_231 = arith.cmpi ne, %convert_element_type3A_229, %cond3A_230 : i32
      scf.if %cond3A_231 {
        %add3A_521 = arith.constant 2 : i32
        %add3A_522 = arith.addi %add3A_225, %add3A_521 : i32
        %add3A_523 = arith.addi %mul3A_2, %add3A_522 : i32
        %dma_wait3A_524 = arith.constant 0 : i32
        %dma_wait3A_525 = tpu.memref_slice %arg4[%add3A_523, %dma_wait3A_524] : memref<4096x200xi32, #tpu.memory_space<hbm>> -> memref<1x200xi32, #tpu.memory_space<hbm>>
        %dma_wait3A_526 = tpu.memref_squeeze %dma_wait3A_525 : memref<1x200xi32, #tpu.memory_space<hbm>> -> memref<200xi32, #tpu.memory_space<hbm>>
        %dma_wait3A_527 = arith.constant 0 : i32
        %dma_wait3A_528 = tpu.memref_slice %arg4[%add3A_523, %dma_wait3A_527] : memref<4096x200xi32, #tpu.memory_space<hbm>> -> memref<1x200xi32, #tpu.memory_space<hbm>>
        %dma_wait3A_529 = tpu.memref_squeeze %dma_wait3A_528 : memref<1x200xi32, #tpu.memory_space<hbm>> -> memref<200xi32, #tpu.memory_space<hbm>>
        tpu.wait_dma2 semaphore(%arg38 : memref<!tpu.dma_semaphore, #tpu.memory_space<semaphore_mem>>) src(%dma_wait3A_529 : memref<200xi32, #tpu.memory_space<hbm>>) dst(%arg18 : memref<200xi32, #tpu.memory_space<vmem>>)
        %dma_wait3A_530 = arith.constant 0 : i32
        %dma_wait3A_531 = tpu.memref_slice %arg5[%add3A_523, %dma_wait3A_530] : memref<4096x200xi32, #tpu.memory_space<hbm>> -> memref<1x200xi32, #tpu.memory_space<hbm>>
        %dma_wait3A_532 = tpu.memref_squeeze %dma_wait3A_531 : memref<1x200xi32, #tpu.memory_space<hbm>> -> memref<200xi32, #tpu.memory_space<hbm>>
        %dma_wait3A_533 = arith.constant 0 : i32
        %dma_wait3A_534 = tpu.memref_slice %arg5[%add3A_523, %dma_wait3A_533] : memref<4096x200xi32, #tpu.memory_space<hbm>> -> memref<1x200xi32, #tpu.memory_space<hbm>>
        %dma_wait3A_535 = tpu.memref_squeeze %dma_wait3A_534 : memref<1x200xi32, #tpu.memory_space<hbm>> -> memref<200xi32, #tpu.memory_space<hbm>>
        tpu.wait_dma2 semaphore(%arg38 : memref<!tpu.dma_semaphore, #tpu.memory_space<semaphore_mem>>) src(%dma_wait3A_535 : memref<200xi32, #tpu.memory_space<hbm>>) dst(%arg22 : memref<200xi32, #tpu.memory_space<vmem>>)
        %ge3A = arith.constant 2 : i32
        %ge3A_536 = arith.cmpi sge, %add3A_225, %ge3A : i32
        %convert_element_type3A_537 = arith.extui %ge3A_536 : i1 to i32
        %cond3A_538 = arith.constant 0 : i32
        %cond3A_539 = arith.cmpi ne, %convert_element_type3A_537, %cond3A_538 : i32
        scf.if %cond3A_539 {
          %sub3A = arith.constant 2 : i32
          %sub3A_583 = arith.subi %add3A_225, %sub3A : i32
          %add3A_584 = arith.addi %mul3A_2, %sub3A_583 : i32
          %dma_wait3A_585 = arith.constant 0 : i32
          %dma_wait3A_586 = arith.constant 0 : i32
          %dma_wait3A_587 = tpu.memref_slice %arg6[%add3A_584, %dma_wait3A_585, %dma_wait3A_586] : memref<4096x200x128xf32, #tpu.memory_space<hbm>> -> memref<1x200x64xf32, #tpu.memory_space<hbm>>
          %dma_wait3A_588 = tpu.memref_squeeze %dma_wait3A_587 : memref<1x200x64xf32, #tpu.memory_space<hbm>> -> memref<200x64xf32, #tpu.memory_space<hbm>>
          %dma_wait3A_589 = arith.constant 0 : i32
          %dma_wait3A_590 = arith.constant 0 : i32
          %dma_wait3A_591 = tpu.memref_slice %arg6[%add3A_584, %dma_wait3A_589, %dma_wait3A_590] : memref<4096x200x128xf32, #tpu.memory_space<hbm>> -> memref<1x200x64xf32, #tpu.memory_space<hbm>>
          %dma_wait3A_592 = tpu.memref_squeeze %dma_wait3A_591 : memref<1x200x64xf32, #tpu.memory_space<hbm>> -> memref<200x64xf32, #tpu.memory_space<hbm>>
          tpu.wait_dma2 semaphore(%arg34 : memref<!tpu.dma_semaphore, #tpu.memory_space<semaphore_mem>>) src(%arg10 : memref<200x64xf32, #tpu.memory_space<vmem>>) dst(%dma_wait3A_592 : memref<200x64xf32, #tpu.memory_space<hbm>>)
        } else {
        }
        %dma_start3A_540 = arith.constant 0 : i32
        %dma_start3A_541 = arith.constant 0 : i32
        %dma_start3A_542 = tpu.memref_slice %arg10[%dma_start3A_540, %dma_start3A_541] : memref<200x64xf32, #tpu.memory_space<vmem>> -> memref<40x64xf32, #tpu.memory_space<vmem>>
        %dma_start3A_543 = arith.constant 0 : i32
        %dma_start3A_544 = tpu.memref_slice %arg18[%dma_start3A_543] : memref<200xi32, #tpu.memory_space<vmem>> -> memref<40xi32, #tpu.memory_space<vmem>>
        %dma_start3A_545 = arith.constant 0 : i32
        %dma_start3A_546 = arith.constant 0 : i32
        %dma_start3A_547 = tpu.memref_slice %arg2[%dma_start3A_545, %dma_start3A_546] : memref<1000000x64xf32, #tpu.memory_space<hbm>> -> memref<1000000x64xf32, #tpu.memory_space<hbm>>
        tpu.enqueue_indirect_dma source(%dma_start3A_547 : memref<1000000x64xf32, #tpu.memory_space<hbm>>) target(%dma_start3A_542 : memref<40x64xf32, #tpu.memory_space<vmem>>) offsets(%dma_start3A_544 : memref<40xi32, #tpu.memory_space<vmem>>) semaphore(%arg26 : memref<!tpu.dma_semaphore, #tpu.memory_space<semaphore_mem>>)
        %dma_start3A_548 = arith.constant 40 : i32
        %dma_start3A_549 = arith.constant 0 : i32
        %dma_start3A_550 = tpu.memref_slice %arg10[%dma_start3A_548, %dma_start3A_549] : memref<200x64xf32, #tpu.memory_space<vmem>> -> memref<40x64xf32, #tpu.memory_space<vmem>>
        %dma_start3A_551 = arith.constant 40 : i32
        %dma_start3A_552 = tpu.memref_slice %arg18[%dma_start3A_551] : memref<200xi32, #tpu.memory_space<vmem>> -> memref<40xi32, #tpu.memory_space<vmem>>
        %dma_start3A_553 = arith.constant 0 : i32
        %dma_start3A_554 = arith.constant 0 : i32
        %dma_start3A_555 = tpu.memref_slice %arg2[%dma_start3A_553, %dma_start3A_554] : memref<1000000x64xf32, #tpu.memory_space<hbm>> -> memref<1000000x64xf32, #tpu.memory_space<hbm>>
        tpu.enqueue_indirect_dma source(%dma_start3A_555 : memref<1000000x64xf32, #tpu.memory_space<hbm>>) target(%dma_start3A_550 : memref<40x64xf32, #tpu.memory_space<vmem>>) offsets(%dma_start3A_552 : memref<40xi32, #tpu.memory_space<vmem>>) semaphore(%arg26 : memref<!tpu.dma_semaphore, #tpu.memory_space<semaphore_mem>>)
        %dma_start3A_556 = arith.constant 80 : i32
        %dma_start3A_557 = arith.constant 0 : i32
        %dma_start3A_558 = tpu.memref_slice %arg10[%dma_start3A_556, %dma_start3A_557] : memref<200x64xf32, #tpu.memory_space<vmem>> -> memref<40x64xf32, #tpu.memory_space<vmem>>
        %dma_start3A_559 = arith.constant 80 : i32
        %dma_start3A_560 = tpu.memref_slice %arg18[%dma_start3A_559] : memref<200xi32, #tpu.memory_space<vmem>> -> memref<40xi32, #tpu.memory_space<vmem>>
        %dma_start3A_561 = arith.constant 0 : i32
        %dma_start3A_562 = arith.constant 0 : i32
        %dma_start3A_563 = tpu.memref_slice %arg2[%dma_start3A_561, %dma_start3A_562] : memref<1000000x64xf32, #tpu.memory_space<hbm>> -> memref<1000000x64xf32, #tpu.memory_space<hbm>>
        tpu.enqueue_indirect_dma source(%dma_start3A_563 : memref<1000000x64xf32, #tpu.memory_space<hbm>>) target(%dma_start3A_558 : memref<40x64xf32, #tpu.memory_space<vmem>>) offsets(%dma_start3A_560 : memref<40xi32, #tpu.memory_space<vmem>>) semaphore(%arg26 : memref<!tpu.dma_semaphore, #tpu.memory_space<semaphore_mem>>)
        %dma_start3A_564 = arith.constant 120 : i32
        %dma_start3A_565 = arith.constant 0 : i32
        %dma_start3A_566 = tpu.memref_slice %arg10[%dma_start3A_564, %dma_start3A_565] : memref<200x64xf32, #tpu.memory_space<vmem>> -> memref<40x64xf32, #tpu.memory_space<vmem>>
        %dma_start3A_567 = arith.constant 120 : i32
        %dma_start3A_568 = tpu.memref_slice %arg18[%dma_start3A_567] : memref<200xi32, #tpu.memory_space<vmem>> -> memref<40xi32, #tpu.memory_space<vmem>>
        %dma_start3A_569 = arith.constant 0 : i32
        %dma_start3A_570 = arith.constant 0 : i32
        %dma_start3A_571 = tpu.memref_slice %arg2[%dma_start3A_569, %dma_start3A_570] : memref<1000000x64xf32, #tpu.memory_space<hbm>> -> memref<1000000x64xf32, #tpu.memory_space<hbm>>
        tpu.enqueue_indirect_dma source(%dma_start3A_571 : memref<1000000x64xf32, #tpu.memory_space<hbm>>) target(%dma_start3A_566 : memref<40x64xf32, #tpu.memory_space<vmem>>) offsets(%dma_start3A_568 : memref<40xi32, #tpu.memory_space<vmem>>) semaphore(%arg26 : memref<!tpu.dma_semaphore, #tpu.memory_space<semaphore_mem>>)
        %dma_start3A_572 = arith.constant 160 : i32
        %dma_start3A_573 = arith.constant 0 : i32
        %dma_start3A_574 = tpu.memref_slice %arg10[%dma_start3A_572, %dma_start3A_573] : memref<200x64xf32, #tpu.memory_space<vmem>> -> memref<40x64xf32, #tpu.memory_space<vmem>>
        %dma_start3A_575 = arith.constant 160 : i32
        %dma_start3A_576 = tpu.memref_slice %arg18[%dma_start3A_575] : memref<200xi32, #tpu.memory_space<vmem>> -> memref<40xi32, #tpu.memory_space<vmem>>
        %dma_start3A_577 = arith.constant 0 : i32
        %dma_start3A_578 = arith.constant 0 : i32
        %dma_start3A_579 = tpu.memref_slice %arg2[%dma_start3A_577, %dma_start3A_578] : memref<1000000x64xf32, #tpu.memory_space<hbm>> -> memref<1000000x64xf32, #tpu.memory_space<hbm>>
        tpu.enqueue_indirect_dma source(%dma_start3A_579 : memref<1000000x64xf32, #tpu.memory_space<hbm>>) target(%dma_start3A_574 : memref<40x64xf32, #tpu.memory_space<vmem>>) offsets(%dma_start3A_576 : memref<40xi32, #tpu.memory_space<vmem>>) semaphore(%arg26 : memref<!tpu.dma_semaphore, #tpu.memory_space<semaphore_mem>>)
        %dma_start3A_580 = arith.constant 0 : i32
        %dma_start3A_581 = arith.constant 0 : i32
        %dma_start3A_582 = tpu.memref_slice %arg7[%dma_start3A_580, %dma_start3A_581] : memref<200x64xf32, #tpu.memory_space<vmem_shared>> -> memref<200x64xf32, #tpu.memory_space<vmem_shared>>
        tpu.enqueue_indirect_dma source(%dma_start3A_582 : memref<200x64xf32, #tpu.memory_space<vmem_shared>>) target(%arg14 : memref<200x64xf32, #tpu.memory_space<vmem>>) offsets(%arg22 : memref<200xi32, #tpu.memory_space<vmem>>) semaphore(%arg30 : memref<!tpu.dma_semaphore, #tpu.memory_space<semaphore_mem>>)
      } else {
      }
      %dma_wait3A_232 = arith.constant 0 : i32
      %dma_wait3A_233 = arith.constant 0 : i32
      %dma_wait3A_234 = tpu.memref_slice %arg8[%dma_wait3A_232, %dma_wait3A_233] : memref<200x64xf32, #tpu.memory_space<vmem>> -> memref<40x64xf32, #tpu.memory_space<vmem>>
      %dma_wait3A_235 = arith.constant 0 : i32
      %dma_wait3A_236 = tpu.memref_slice %arg16[%dma_wait3A_235] : memref<200xi32, #tpu.memory_space<vmem>> -> memref<40xi32, #tpu.memory_space<vmem>>
      %dma_wait3A_237 = arith.constant 0 : i32
      %dma_wait3A_238 = arith.constant 0 : i32
      %dma_wait3A_239 = tpu.memref_slice %arg2[%dma_wait3A_237, %dma_wait3A_238] : memref<1000000x64xf32, #tpu.memory_space<hbm>> -> memref<1000000x64xf32, #tpu.memory_space<hbm>>
      tpu.wait_indirect_dma semaphore(%arg24 : memref<!tpu.dma_semaphore, #tpu.memory_space<semaphore_mem>>) src(%dma_wait3A_239 : memref<1000000x64xf32, #tpu.memory_space<hbm>>) dst(%dma_wait3A_234 : memref<40x64xf32, #tpu.memory_space<vmem>>)
      %dma_wait3A_240 = arith.constant 40 : i32
      %dma_wait3A_241 = arith.constant 0 : i32
      %dma_wait3A_242 = tpu.memref_slice %arg8[%dma_wait3A_240, %dma_wait3A_241] : memref<200x64xf32, #tpu.memory_space<vmem>> -> memref<40x64xf32, #tpu.memory_space<vmem>>
      %dma_wait3A_243 = arith.constant 40 : i32
      %dma_wait3A_244 = tpu.memref_slice %arg16[%dma_wait3A_243] : memref<200xi32, #tpu.memory_space<vmem>> -> memref<40xi32, #tpu.memory_space<vmem>>
      %dma_wait3A_245 = arith.constant 0 : i32
      %dma_wait3A_246 = arith.constant 0 : i32
      %dma_wait3A_247 = tpu.memref_slice %arg2[%dma_wait3A_245, %dma_wait3A_246] : memref<1000000x64xf32, #tpu.memory_space<hbm>> -> memref<1000000x64xf32, #tpu.memory_space<hbm>>
      tpu.wait_indirect_dma semaphore(%arg24 : memref<!tpu.dma_semaphore, #tpu.memory_space<semaphore_mem>>) src(%dma_wait3A_247 : memref<1000000x64xf32, #tpu.memory_space<hbm>>) dst(%dma_wait3A_242 : memref<40x64xf32, #tpu.memory_space<vmem>>)
      %dma_wait3A_248 = arith.constant 80 : i32
      %dma_wait3A_249 = arith.constant 0 : i32
      %dma_wait3A_250 = tpu.memref_slice %arg8[%dma_wait3A_248, %dma_wait3A_249] : memref<200x64xf32, #tpu.memory_space<vmem>> -> memref<40x64xf32, #tpu.memory_space<vmem>>
      %dma_wait3A_251 = arith.constant 80 : i32
      %dma_wait3A_252 = tpu.memref_slice %arg16[%dma_wait3A_251] : memref<200xi32, #tpu.memory_space<vmem>> -> memref<40xi32, #tpu.memory_space<vmem>>
      %dma_wait3A_253 = arith.constant 0 : i32
      %dma_wait3A_254 = arith.constant 0 : i32
      %dma_wait3A_255 = tpu.memref_slice %arg2[%dma_wait3A_253, %dma_wait3A_254] : memref<1000000x64xf32, #tpu.memory_space<hbm>> -> memref<1000000x64xf32, #tpu.memory_space<hbm>>
      tpu.wait_indirect_dma semaphore(%arg24 : memref<!tpu.dma_semaphore, #tpu.memory_space<semaphore_mem>>) src(%dma_wait3A_255 : memref<1000000x64xf32, #tpu.memory_space<hbm>>) dst(%dma_wait3A_250 : memref<40x64xf32, #tpu.memory_space<vmem>>)
      %dma_wait3A_256 = arith.constant 120 : i32
      %dma_wait3A_257 = arith.constant 0 : i32
      %dma_wait3A_258 = tpu.memref_slice %arg8[%dma_wait3A_256, %dma_wait3A_257] : memref<200x64xf32, #tpu.memory_space<vmem>> -> memref<40x64xf32, #tpu.memory_space<vmem>>
      %dma_wait3A_259 = arith.constant 120 : i32
      %dma_wait3A_260 = tpu.memref_slice %arg16[%dma_wait3A_259] : memref<200xi32, #tpu.memory_space<vmem>> -> memref<40xi32, #tpu.memory_space<vmem>>
      %dma_wait3A_261 = arith.constant 0 : i32
      %dma_wait3A_262 = arith.constant 0 : i32
      %dma_wait3A_263 = tpu.memref_slice %arg2[%dma_wait3A_261, %dma_wait3A_262] : memref<1000000x64xf32, #tpu.memory_space<hbm>> -> memref<1000000x64xf32, #tpu.memory_space<hbm>>
      tpu.wait_indirect_dma semaphore(%arg24 : memref<!tpu.dma_semaphore, #tpu.memory_space<semaphore_mem>>) src(%dma_wait3A_263 : memref<1000000x64xf32, #tpu.memory_space<hbm>>) dst(%dma_wait3A_258 : memref<40x64xf32, #tpu.memory_space<vmem>>)
      %dma_wait3A_264 = arith.constant 160 : i32
      %dma_wait3A_265 = arith.constant 0 : i32
      %dma_wait3A_266 = tpu.memref_slice %arg8[%dma_wait3A_264, %dma_wait3A_265] : memref<200x64xf32, #tpu.memory_space<vmem>> -> memref<40x64xf32, #tpu.memory_space<vmem>>
      %dma_wait3A_267 = arith.constant 160 : i32
      %dma_wait3A_268 = tpu.memref_slice %arg16[%dma_wait3A_267] : memref<200xi32, #tpu.memory_space<vmem>> -> memref<40xi32, #tpu.memory_space<vmem>>
      %dma_wait3A_269 = arith.constant 0 : i32
      %dma_wait3A_270 = arith.constant 0 : i32
      %dma_wait3A_271 = tpu.memref_slice %arg2[%dma_wait3A_269, %dma_wait3A_270] : memref<1000000x64xf32, #tpu.memory_space<hbm>> -> memref<1000000x64xf32, #tpu.memory_space<hbm>>
      tpu.wait_indirect_dma semaphore(%arg24 : memref<!tpu.dma_semaphore, #tpu.memory_space<semaphore_mem>>) src(%dma_wait3A_271 : memref<1000000x64xf32, #tpu.memory_space<hbm>>) dst(%dma_wait3A_266 : memref<40x64xf32, #tpu.memory_space<vmem>>)
      %dma_wait3A_272 = arith.constant 0 : i32
      %dma_wait3A_273 = arith.constant 0 : i32
      %dma_wait3A_274 = tpu.memref_slice %arg7[%dma_wait3A_272, %dma_wait3A_273] : memref<200x64xf32, #tpu.memory_space<vmem_shared>> -> memref<200x64xf32, #tpu.memory_space<vmem_shared>>
      tpu.wait_indirect_dma semaphore(%arg28 : memref<!tpu.dma_semaphore, #tpu.memory_space<semaphore_mem>>) src(%dma_wait3A_274 : memref<200x64xf32, #tpu.memory_space<vmem_shared>>) dst(%arg12 : memref<200x64xf32, #tpu.memory_space<vmem>>)
      %add3A_275 = arith.constant 4 : i32
      %add3A_276 = arith.addi %add3A_225, %add3A_275 : i32
      %lt3A_277 = arith.constant 128 : i32
      %lt3A_278 = arith.cmpi slt, %add3A_276, %lt3A_277 : i32
      %convert_element_type3A_279 = arith.extui %lt3A_278 : i1 to i32
      %cond3A_280 = arith.constant 0 : i32
      %cond3A_281 = arith.cmpi ne, %convert_element_type3A_279, %cond3A_280 : i32
      scf.if %cond3A_281 {
        %add3A_521 = arith.constant 4 : i32
        %add3A_522 = arith.addi %add3A_225, %add3A_521 : i32
        %add3A_523 = arith.addi %mul3A_2, %add3A_522 : i32
        %dma_start3A_524 = arith.constant 0 : i32
        %dma_start3A_525 = tpu.memref_slice %arg4[%add3A_523, %dma_start3A_524] : memref<4096x200xi32, #tpu.memory_space<hbm>> -> memref<1x200xi32, #tpu.memory_space<hbm>>
        %dma_start3A_526 = tpu.memref_squeeze %dma_start3A_525 : memref<1x200xi32, #tpu.memory_space<hbm>> -> memref<200xi32, #tpu.memory_space<hbm>>
        %dma_start3A_527 = arith.constant 0 : i32
        %dma_start3A_528 = tpu.memref_slice %arg4[%add3A_523, %dma_start3A_527] : memref<4096x200xi32, #tpu.memory_space<hbm>> -> memref<1x200xi32, #tpu.memory_space<hbm>>
        %dma_start3A_529 = tpu.memref_squeeze %dma_start3A_528 : memref<1x200xi32, #tpu.memory_space<hbm>> -> memref<200xi32, #tpu.memory_space<hbm>>
        tpu.enqueue_dma source(%dma_start3A_529 : memref<200xi32, #tpu.memory_space<hbm>>) target(%arg16 : memref<200xi32, #tpu.memory_space<vmem>>) target_semaphore(%arg36 : memref<!tpu.dma_semaphore, #tpu.memory_space<semaphore_mem>>)
        %dma_start3A_530 = arith.constant 0 : i32
        %dma_start3A_531 = tpu.memref_slice %arg5[%add3A_523, %dma_start3A_530] : memref<4096x200xi32, #tpu.memory_space<hbm>> -> memref<1x200xi32, #tpu.memory_space<hbm>>
        %dma_start3A_532 = tpu.memref_squeeze %dma_start3A_531 : memref<1x200xi32, #tpu.memory_space<hbm>> -> memref<200xi32, #tpu.memory_space<hbm>>
        %dma_start3A_533 = arith.constant 0 : i32
        %dma_start3A_534 = tpu.memref_slice %arg5[%add3A_523, %dma_start3A_533] : memref<4096x200xi32, #tpu.memory_space<hbm>> -> memref<1x200xi32, #tpu.memory_space<hbm>>
        %dma_start3A_535 = tpu.memref_squeeze %dma_start3A_534 : memref<1x200xi32, #tpu.memory_space<hbm>> -> memref<200xi32, #tpu.memory_space<hbm>>
        tpu.enqueue_dma source(%dma_start3A_535 : memref<200xi32, #tpu.memory_space<hbm>>) target(%arg20 : memref<200xi32, #tpu.memory_space<vmem>>) target_semaphore(%arg36 : memref<!tpu.dma_semaphore, #tpu.memory_space<semaphore_mem>>)
      } else {
      }
      %scan3A_282 = arith.constant 0 : i32
      %scan3A_283 = arith.constant 200 : i32
      %scan3A_284 = arith.addi %scan3A_282, %scan3A_283 : i32
      %scan3A_285 = arith.constant 1 : i32
      scf.for %scan3A_521 = %scan3A_282 to %scan3A_284 step %scan3A_285  : i32 {
        %mul3A_522 = arith.constant 1 : i32
        %mul3A_523 = arith.muli %scan3A_521, %mul3A_522 : i32
        %add3A_524 = arith.constant 0 : i32
        %add3A_525 = arith.addi %add3A_524, %mul3A_523 : i32
        %get3A = arith.index_cast %add3A_525 : i32 to index
        %get3A_526 = arith.constant 0 : index
        %get3A_527 = tpu.vector_load %arg8[%get3A, %get3A_526] {strides = array<i32>} : memref<200x64xf32, #tpu.memory_space<vmem>>, vector<1x16xf32>,
        %get3A_528 = vector.shape_cast %get3A_527 : vector<1x16xf32> to vector<16xf32>
        %get3A_529 = arith.index_cast %add3A_525 : i32 to index
        %get3A_530 = arith.constant 0 : index
        %get3A_531 = tpu.vector_load %arg12[%get3A_529, %get3A_530] {strides = array<i32>} : memref<200x64xf32, #tpu.memory_space<vmem>>, vector<1x16xf32>,
        %get3A_532 = vector.shape_cast %get3A_531 : vector<1x16xf32> to vector<16xf32>
        %add3A_533 = arith.addf %get3A_528, %get3A_532 : vector<16xf32>
        %swap3A = arith.index_cast %add3A_525 : i32 to index
        %swap3A_534 = arith.constant 0 : index
        %swap3A_535 = tpu.vector_load %arg8[%swap3A, %swap3A_534] {strides = array<i32>} : memref<200x64xf32, #tpu.memory_space<vmem>>, vector<1x16xf32>,
        %swap3A_536 = vector.shape_cast %swap3A_535 : vector<1x16xf32> to vector<16xf32>
        %swap3A_537 = vector.shape_cast %add3A_533 : vector<16xf32> to vector<1x16xf32>
        tpu.vector_store %arg8[%swap3A, %swap3A_534], %swap3A_537 {strides = array<i32>} : memref<200x64xf32, #tpu.memory_space<vmem>>, vector<1x16xf32>,
        %get3A_538 = arith.index_cast %add3A_525 : i32 to index
        %get3A_539 = arith.constant 16 : index
        %get3A_540 = tpu.vector_load %arg8[%get3A_538, %get3A_539] {strides = array<i32>} : memref<200x64xf32, #tpu.memory_space<vmem>>, vector<1x16xf32>,
        %get3A_541 = vector.shape_cast %get3A_540 : vector<1x16xf32> to vector<16xf32>
        %get3A_542 = arith.index_cast %add3A_525 : i32 to index
        %get3A_543 = arith.constant 16 : index
        %get3A_544 = tpu.vector_load %arg12[%get3A_542, %get3A_543] {strides = array<i32>} : memref<200x64xf32, #tpu.memory_space<vmem>>, vector<1x16xf32>,
        %get3A_545 = vector.shape_cast %get3A_544 : vector<1x16xf32> to vector<16xf32>
        %add3A_546 = arith.addf %get3A_541, %get3A_545 : vector<16xf32>
        %swap3A_547 = arith.index_cast %add3A_525 : i32 to index
        %swap3A_548 = arith.constant 16 : index
        %swap3A_549 = tpu.vector_load %arg8[%swap3A_547, %swap3A_548] {strides = array<i32>} : memref<200x64xf32, #tpu.memory_space<vmem>>, vector<1x16xf32>,
        %swap3A_550 = vector.shape_cast %swap3A_549 : vector<1x16xf32> to vector<16xf32>
        %swap3A_551 = vector.shape_cast %add3A_546 : vector<16xf32> to vector<1x16xf32>
        tpu.vector_store %arg8[%swap3A_547, %swap3A_548], %swap3A_551 {strides = array<i32>} : memref<200x64xf32, #tpu.memory_space<vmem>>, vector<1x16xf32>,
        %get3A_552 = arith.index_cast %add3A_525 : i32 to index
        %get3A_553 = arith.constant 32 : index
        %get3A_554 = tpu.vector_load %arg8[%get3A_552, %get3A_553] {strides = array<i32>} : memref<200x64xf32, #tpu.memory_space<vmem>>, vector<1x16xf32>,
        %get3A_555 = vector.shape_cast %get3A_554 : vector<1x16xf32> to vector<16xf32>
        %get3A_556 = arith.index_cast %add3A_525 : i32 to index
        %get3A_557 = arith.constant 32 : index
        %get3A_558 = tpu.vector_load %arg12[%get3A_556, %get3A_557] {strides = array<i32>} : memref<200x64xf32, #tpu.memory_space<vmem>>, vector<1x16xf32>,
        %get3A_559 = vector.shape_cast %get3A_558 : vector<1x16xf32> to vector<16xf32>
        %add3A_560 = arith.addf %get3A_555, %get3A_559 : vector<16xf32>
        %swap3A_561 = arith.index_cast %add3A_525 : i32 to index
        %swap3A_562 = arith.constant 32 : index
        %swap3A_563 = tpu.vector_load %arg8[%swap3A_561, %swap3A_562] {strides = array<i32>} : memref<200x64xf32, #tpu.memory_space<vmem>>, vector<1x16xf32>,
        %swap3A_564 = vector.shape_cast %swap3A_563 : vector<1x16xf32> to vector<16xf32>
        %swap3A_565 = vector.shape_cast %add3A_560 : vector<16xf32> to vector<1x16xf32>
        tpu.vector_store %arg8[%swap3A_561, %swap3A_562], %swap3A_565 {strides = array<i32>} : memref<200x64xf32, #tpu.memory_space<vmem>>, vector<1x16xf32>,
        %get3A_566 = arith.index_cast %add3A_525 : i32 to index
        %get3A_567 = arith.constant 48 : index
        %get3A_568 = tpu.vector_load %arg8[%get3A_566, %get3A_567] {strides = array<i32>} : memref<200x64xf32, #tpu.memory_space<vmem>>, vector<1x16xf32>,
        %get3A_569 = vector.shape_cast %get3A_568 : vector<1x16xf32> to vector<16xf32>
        %get3A_570 = arith.index_cast %add3A_525 : i32 to index
        %get3A_571 = arith.constant 48 : index
        %get3A_572 = tpu.vector_load %arg12[%get3A_570, %get3A_571] {strides = array<i32>} : memref<200x64xf32, #tpu.memory_space<vmem>>, vector<1x16xf32>,
        %get3A_573 = vector.shape_cast %get3A_572 : vector<1x16xf32> to vector<16xf32>
        %add3A_574 = arith.addf %get3A_569, %get3A_573 : vector<16xf32>
        %swap3A_575 = arith.index_cast %add3A_525 : i32 to index
        %swap3A_576 = arith.constant 48 : index
        %swap3A_577 = tpu.vector_load %arg8[%swap3A_575, %swap3A_576] {strides = array<i32>} : memref<200x64xf32, #tpu.memory_space<vmem>>, vector<1x16xf32>,
        %swap3A_578 = vector.shape_cast %swap3A_577 : vector<1x16xf32> to vector<16xf32>
        %swap3A_579 = vector.shape_cast %add3A_574 : vector<16xf32> to vector<1x16xf32>
        tpu.vector_store %arg8[%swap3A_575, %swap3A_576], %swap3A_579 {strides = array<i32>} : memref<200x64xf32, #tpu.memory_space<vmem>>, vector<1x16xf32>,
      }
      %scan3A_286 = arith.constant 200 : i32
      %add3A_287 = arith.addi %mul3A_2, %add3A_225 : i32
      %dma_start3A_288 = arith.constant 0 : i32
      %dma_start3A_289 = arith.constant 0 : i32
      %dma_start3A_290 = tpu.memref_slice %arg6[%add3A_287, %dma_start3A_288, %dma_start3A_289] : memref<4096x200x128xf32, #tpu.memory_space<hbm>> -> memref<1x200x64xf32, #tpu.memory_space<hbm>>
      %dma_start3A_291 = tpu.memref_squeeze %dma_start3A_290 : memref<1x200x64xf32, #tpu.memory_space<hbm>> -> memref<200x64xf32, #tpu.memory_space<hbm>>
      %dma_start3A_292 = arith.constant 0 : i32
      %dma_start3A_293 = arith.constant 0 : i32
      %dma_start3A_294 = tpu.memref_slice %arg6[%add3A_287, %dma_start3A_292, %dma_start3A_293] : memref<4096x200x128xf32, #tpu.memory_space<hbm>> -> memref<1x200x64xf32, #tpu.memory_space<hbm>>
      %dma_start3A_295 = tpu.memref_squeeze %dma_start3A_294 : memref<1x200x64xf32, #tpu.memory_space<hbm>> -> memref<200x64xf32, #tpu.memory_space<hbm>>
      tpu.enqueue_dma source(%arg8 : memref<200x64xf32, #tpu.memory_space<vmem>>) target(%dma_start3A_295 : memref<200x64xf32, #tpu.memory_space<hbm>>) target_semaphore(%arg32 : memref<!tpu.dma_semaphore, #tpu.memory_space<semaphore_mem>>)
      %mul3A_296 = arith.constant 4 : i32
      %mul3A_297 = arith.muli %add3A_221, %mul3A_296 : i32
      %add3A_298 = arith.constant 1 : i32
      %add3A_299 = arith.addi %mul3A_297, %add3A_298 : i32
      %add3A_300 = arith.constant 2 : i32
      %add3A_301 = arith.addi %add3A_299, %add3A_300 : i32
      %lt3A_302 = arith.constant 128 : i32
      %lt3A_303 = arith.cmpi slt, %add3A_301, %lt3A_302 : i32
      %convert_element_type3A_304 = arith.extui %lt3A_303 : i1 to i32
      %cond3A_305 = arith.constant 0 : i32
      %cond3A_306 = arith.cmpi ne, %convert_element_type3A_304, %cond3A_305 : i32
      scf.if %cond3A_306 {
        %add3A_521 = arith.constant 2 : i32
        %add3A_522 = arith.addi %add3A_299, %add3A_521 : i32
        %add3A_523 = arith.addi %mul3A_2, %add3A_522 : i32
        %dma_wait3A_524 = arith.constant 0 : i32
        %dma_wait3A_525 = tpu.memref_slice %arg4[%add3A_523, %dma_wait3A_524] : memref<4096x200xi32, #tpu.memory_space<hbm>> -> memref<1x200xi32, #tpu.memory_space<hbm>>
        %dma_wait3A_526 = tpu.memref_squeeze %dma_wait3A_525 : memref<1x200xi32, #tpu.memory_space<hbm>> -> memref<200xi32, #tpu.memory_space<hbm>>
        %dma_wait3A_527 = arith.constant 0 : i32
        %dma_wait3A_528 = tpu.memref_slice %arg4[%add3A_523, %dma_wait3A_527] : memref<4096x200xi32, #tpu.memory_space<hbm>> -> memref<1x200xi32, #tpu.memory_space<hbm>>
        %dma_wait3A_529 = tpu.memref_squeeze %dma_wait3A_528 : memref<1x200xi32, #tpu.memory_space<hbm>> -> memref<200xi32, #tpu.memory_space<hbm>>
        tpu.wait_dma2 semaphore(%arg39 : memref<!tpu.dma_semaphore, #tpu.memory_space<semaphore_mem>>) src(%dma_wait3A_529 : memref<200xi32, #tpu.memory_space<hbm>>) dst(%arg19 : memref<200xi32, #tpu.memory_space<vmem>>)
        %dma_wait3A_530 = arith.constant 0 : i32
        %dma_wait3A_531 = tpu.memref_slice %arg5[%add3A_523, %dma_wait3A_530] : memref<4096x200xi32, #tpu.memory_space<hbm>> -> memref<1x200xi32, #tpu.memory_space<hbm>>
        %dma_wait3A_532 = tpu.memref_squeeze %dma_wait3A_531 : memref<1x200xi32, #tpu.memory_space<hbm>> -> memref<200xi32, #tpu.memory_space<hbm>>
        %dma_wait3A_533 = arith.constant 0 : i32
        %dma_wait3A_534 = tpu.memref_slice %arg5[%add3A_523, %dma_wait3A_533] : memref<4096x200xi32, #tpu.memory_space<hbm>> -> memref<1x200xi32, #tpu.memory_space<hbm>>
        %dma_wait3A_535 = tpu.memref_squeeze %dma_wait3A_534 : memref<1x200xi32, #tpu.memory_space<hbm>> -> memref<200xi32, #tpu.memory_space<hbm>>
        tpu.wait_dma2 semaphore(%arg39 : memref<!tpu.dma_semaphore, #tpu.memory_space<semaphore_mem>>) src(%dma_wait3A_535 : memref<200xi32, #tpu.memory_space<hbm>>) dst(%arg23 : memref<200xi32, #tpu.memory_space<vmem>>)
        %ge3A = arith.constant 2 : i32
        %ge3A_536 = arith.cmpi sge, %add3A_299, %ge3A : i32
        %convert_element_type3A_537 = arith.extui %ge3A_536 : i1 to i32
        %cond3A_538 = arith.constant 0 : i32
        %cond3A_539 = arith.cmpi ne, %convert_element_type3A_537, %cond3A_538 : i32
        scf.if %cond3A_539 {
          %sub3A = arith.constant 2 : i32
          %sub3A_583 = arith.subi %add3A_299, %sub3A : i32
          %add3A_584 = arith.addi %mul3A_2, %sub3A_583 : i32
          %dma_wait3A_585 = arith.constant 0 : i32
          %dma_wait3A_586 = arith.constant 0 : i32
          %dma_wait3A_587 = tpu.memref_slice %arg6[%add3A_584, %dma_wait3A_585, %dma_wait3A_586] : memref<4096x200x128xf32, #tpu.memory_space<hbm>> -> memref<1x200x64xf32, #tpu.memory_space<hbm>>
          %dma_wait3A_588 = tpu.memref_squeeze %dma_wait3A_587 : memref<1x200x64xf32, #tpu.memory_space<hbm>> -> memref<200x64xf32, #tpu.memory_space<hbm>>
          %dma_wait3A_589 = arith.constant 0 : i32
          %dma_wait3A_590 = arith.constant 0 : i32
          %dma_wait3A_591 = tpu.memref_slice %arg6[%add3A_584, %dma_wait3A_589, %dma_wait3A_590] : memref<4096x200x128xf32, #tpu.memory_space<hbm>> -> memref<1x200x64xf32, #tpu.memory_space<hbm>>
          %dma_wait3A_592 = tpu.memref_squeeze %dma_wait3A_591 : memref<1x200x64xf32, #tpu.memory_space<hbm>> -> memref<200x64xf32, #tpu.memory_space<hbm>>
          tpu.wait_dma2 semaphore(%arg35 : memref<!tpu.dma_semaphore, #tpu.memory_space<semaphore_mem>>) src(%arg11 : memref<200x64xf32, #tpu.memory_space<vmem>>) dst(%dma_wait3A_592 : memref<200x64xf32, #tpu.memory_space<hbm>>)
        } else {
        }
        %dma_start3A_540 = arith.constant 0 : i32
        %dma_start3A_541 = arith.constant 0 : i32
        %dma_start3A_542 = tpu.memref_slice %arg11[%dma_start3A_540, %dma_start3A_541] : memref<200x64xf32, #tpu.memory_space<vmem>> -> memref<40x64xf32, #tpu.memory_space<vmem>>
        %dma_start3A_543 = arith.constant 0 : i32
        %dma_start3A_544 = tpu.memref_slice %arg19[%dma_start3A_543] : memref<200xi32, #tpu.memory_space<vmem>> -> memref<40xi32, #tpu.memory_space<vmem>>
        %dma_start3A_545 = arith.constant 0 : i32
        %dma_start3A_546 = arith.constant 0 : i32
        %dma_start3A_547 = tpu.memref_slice %arg2[%dma_start3A_545, %dma_start3A_546] : memref<1000000x64xf32, #tpu.memory_space<hbm>> -> memref<1000000x64xf32, #tpu.memory_space<hbm>>
        tpu.enqueue_indirect_dma source(%dma_start3A_547 : memref<1000000x64xf32, #tpu.memory_space<hbm>>) target(%dma_start3A_542 : memref<40x64xf32, #tpu.memory_space<vmem>>) offsets(%dma_start3A_544 : memref<40xi32, #tpu.memory_space<vmem>>) semaphore(%arg27 : memref<!tpu.dma_semaphore, #tpu.memory_space<semaphore_mem>>)
        %dma_start3A_548 = arith.constant 40 : i32
        %dma_start3A_549 = arith.constant 0 : i32
        %dma_start3A_550 = tpu.memref_slice %arg11[%dma_start3A_548, %dma_start3A_549] : memref<200x64xf32, #tpu.memory_space<vmem>> -> memref<40x64xf32, #tpu.memory_space<vmem>>
        %dma_start3A_551 = arith.constant 40 : i32
        %dma_start3A_552 = tpu.memref_slice %arg19[%dma_start3A_551] : memref<200xi32, #tpu.memory_space<vmem>> -> memref<40xi32, #tpu.memory_space<vmem>>
        %dma_start3A_553 = arith.constant 0 : i32
        %dma_start3A_554 = arith.constant 0 : i32
        %dma_start3A_555 = tpu.memref_slice %arg2[%dma_start3A_553, %dma_start3A_554] : memref<1000000x64xf32, #tpu.memory_space<hbm>> -> memref<1000000x64xf32, #tpu.memory_space<hbm>>
        tpu.enqueue_indirect_dma source(%dma_start3A_555 : memref<1000000x64xf32, #tpu.memory_space<hbm>>) target(%dma_start3A_550 : memref<40x64xf32, #tpu.memory_space<vmem>>) offsets(%dma_start3A_552 : memref<40xi32, #tpu.memory_space<vmem>>) semaphore(%arg27 : memref<!tpu.dma_semaphore, #tpu.memory_space<semaphore_mem>>)
        %dma_start3A_556 = arith.constant 80 : i32
        %dma_start3A_557 = arith.constant 0 : i32
        %dma_start3A_558 = tpu.memref_slice %arg11[%dma_start3A_556, %dma_start3A_557] : memref<200x64xf32, #tpu.memory_space<vmem>> -> memref<40x64xf32, #tpu.memory_space<vmem>>
        %dma_start3A_559 = arith.constant 80 : i32
        %dma_start3A_560 = tpu.memref_slice %arg19[%dma_start3A_559] : memref<200xi32, #tpu.memory_space<vmem>> -> memref<40xi32, #tpu.memory_space<vmem>>
        %dma_start3A_561 = arith.constant 0 : i32
        %dma_start3A_562 = arith.constant 0 : i32
        %dma_start3A_563 = tpu.memref_slice %arg2[%dma_start3A_561, %dma_start3A_562] : memref<1000000x64xf32, #tpu.memory_space<hbm>> -> memref<1000000x64xf32, #tpu.memory_space<hbm>>
        tpu.enqueue_indirect_dma source(%dma_start3A_563 : memref<1000000x64xf32, #tpu.memory_space<hbm>>) target(%dma_start3A_558 : memref<40x64xf32, #tpu.memory_space<vmem>>) offsets(%dma_start3A_560 : memref<40xi32, #tpu.memory_space<vmem>>) semaphore(%arg27 : memref<!tpu.dma_semaphore, #tpu.memory_space<semaphore_mem>>)
        %dma_start3A_564 = arith.constant 120 : i32
        %dma_start3A_565 = arith.constant 0 : i32
        %dma_start3A_566 = tpu.memref_slice %arg11[%dma_start3A_564, %dma_start3A_565] : memref<200x64xf32, #tpu.memory_space<vmem>> -> memref<40x64xf32, #tpu.memory_space<vmem>>
        %dma_start3A_567 = arith.constant 120 : i32
        %dma_start3A_568 = tpu.memref_slice %arg19[%dma_start3A_567] : memref<200xi32, #tpu.memory_space<vmem>> -> memref<40xi32, #tpu.memory_space<vmem>>
        %dma_start3A_569 = arith.constant 0 : i32
        %dma_start3A_570 = arith.constant 0 : i32
        %dma_start3A_571 = tpu.memref_slice %arg2[%dma_start3A_569, %dma_start3A_570] : memref<1000000x64xf32, #tpu.memory_space<hbm>> -> memref<1000000x64xf32, #tpu.memory_space<hbm>>
        tpu.enqueue_indirect_dma source(%dma_start3A_571 : memref<1000000x64xf32, #tpu.memory_space<hbm>>) target(%dma_start3A_566 : memref<40x64xf32, #tpu.memory_space<vmem>>) offsets(%dma_start3A_568 : memref<40xi32, #tpu.memory_space<vmem>>) semaphore(%arg27 : memref<!tpu.dma_semaphore, #tpu.memory_space<semaphore_mem>>)
        %dma_start3A_572 = arith.constant 160 : i32
        %dma_start3A_573 = arith.constant 0 : i32
        %dma_start3A_574 = tpu.memref_slice %arg11[%dma_start3A_572, %dma_start3A_573] : memref<200x64xf32, #tpu.memory_space<vmem>> -> memref<40x64xf32, #tpu.memory_space<vmem>>
        %dma_start3A_575 = arith.constant 160 : i32
        %dma_start3A_576 = tpu.memref_slice %arg19[%dma_start3A_575] : memref<200xi32, #tpu.memory_space<vmem>> -> memref<40xi32, #tpu.memory_space<vmem>>
        %dma_start3A_577 = arith.constant 0 : i32
        %dma_start3A_578 = arith.constant 0 : i32
        %dma_start3A_579 = tpu.memref_slice %arg2[%dma_start3A_577, %dma_start3A_578] : memref<1000000x64xf32, #tpu.memory_space<hbm>> -> memref<1000000x64xf32, #tpu.memory_space<hbm>>
        tpu.enqueue_indirect_dma source(%dma_start3A_579 : memref<1000000x64xf32, #tpu.memory_space<hbm>>) target(%dma_start3A_574 : memref<40x64xf32, #tpu.memory_space<vmem>>) offsets(%dma_start3A_576 : memref<40xi32, #tpu.memory_space<vmem>>) semaphore(%arg27 : memref<!tpu.dma_semaphore, #tpu.memory_space<semaphore_mem>>)
        %dma_start3A_580 = arith.constant 0 : i32
        %dma_start3A_581 = arith.constant 0 : i32
        %dma_start3A_582 = tpu.memref_slice %arg7[%dma_start3A_580, %dma_start3A_581] : memref<200x64xf32, #tpu.memory_space<vmem_shared>> -> memref<200x64xf32, #tpu.memory_space<vmem_shared>>
        tpu.enqueue_indirect_dma source(%dma_start3A_582 : memref<200x64xf32, #tpu.memory_space<vmem_shared>>) target(%arg15 : memref<200x64xf32, #tpu.memory_space<vmem>>) offsets(%arg23 : memref<200xi32, #tpu.memory_space<vmem>>) semaphore(%arg31 : memref<!tpu.dma_semaphore, #tpu.memory_space<semaphore_mem>>)
      } else {
      }
      %dma_wait3A_307 = arith.constant 0 : i32
      %dma_wait3A_308 = arith.constant 0 : i32
      %dma_wait3A_309 = tpu.memref_slice %arg9[%dma_wait3A_307, %dma_wait3A_308] : memref<200x64xf32, #tpu.memory_space<vmem>> -> memref<40x64xf32, #tpu.memory_space<vmem>>
      %dma_wait3A_310 = arith.constant 0 : i32
      %dma_wait3A_311 = tpu.memref_slice %arg17[%dma_wait3A_310] : memref<200xi32, #tpu.memory_space<vmem>> -> memref<40xi32, #tpu.memory_space<vmem>>
      %dma_wait3A_312 = arith.constant 0 : i32
      %dma_wait3A_313 = arith.constant 0 : i32
      %dma_wait3A_314 = tpu.memref_slice %arg2[%dma_wait3A_312, %dma_wait3A_313] : memref<1000000x64xf32, #tpu.memory_space<hbm>> -> memref<1000000x64xf32, #tpu.memory_space<hbm>>
      tpu.wait_indirect_dma semaphore(%arg25 : memref<!tpu.dma_semaphore, #tpu.memory_space<semaphore_mem>>) src(%dma_wait3A_314 : memref<1000000x64xf32, #tpu.memory_space<hbm>>) dst(%dma_wait3A_309 : memref<40x64xf32, #tpu.memory_space<vmem>>)
      %dma_wait3A_315 = arith.constant 40 : i32
      %dma_wait3A_316 = arith.constant 0 : i32
      %dma_wait3A_317 = tpu.memref_slice %arg9[%dma_wait3A_315, %dma_wait3A_316] : memref<200x64xf32, #tpu.memory_space<vmem>> -> memref<40x64xf32, #tpu.memory_space<vmem>>
      %dma_wait3A_318 = arith.constant 40 : i32
      %dma_wait3A_319 = tpu.memref_slice %arg17[%dma_wait3A_318] : memref<200xi32, #tpu.memory_space<vmem>> -> memref<40xi32, #tpu.memory_space<vmem>>
      %dma_wait3A_320 = arith.constant 0 : i32
      %dma_wait3A_321 = arith.constant 0 : i32
      %dma_wait3A_322 = tpu.memref_slice %arg2[%dma_wait3A_320, %dma_wait3A_321] : memref<1000000x64xf32, #tpu.memory_space<hbm>> -> memref<1000000x64xf32, #tpu.memory_space<hbm>>
      tpu.wait_indirect_dma semaphore(%arg25 : memref<!tpu.dma_semaphore, #tpu.memory_space<semaphore_mem>>) src(%dma_wait3A_322 : memref<1000000x64xf32, #tpu.memory_space<hbm>>) dst(%dma_wait3A_317 : memref<40x64xf32, #tpu.memory_space<vmem>>)
      %dma_wait3A_323 = arith.constant 80 : i32
      %dma_wait3A_324 = arith.constant 0 : i32
      %dma_wait3A_325 = tpu.memref_slice %arg9[%dma_wait3A_323, %dma_wait3A_324] : memref<200x64xf32, #tpu.memory_space<vmem>> -> memref<40x64xf32, #tpu.memory_space<vmem>>
      %dma_wait3A_326 = arith.constant 80 : i32
      %dma_wait3A_327 = tpu.memref_slice %arg17[%dma_wait3A_326] : memref<200xi32, #tpu.memory_space<vmem>> -> memref<40xi32, #tpu.memory_space<vmem>>
      %dma_wait3A_328 = arith.constant 0 : i32
      %dma_wait3A_329 = arith.constant 0 : i32
      %dma_wait3A_330 = tpu.memref_slice %arg2[%dma_wait3A_328, %dma_wait3A_329] : memref<1000000x64xf32, #tpu.memory_space<hbm>> -> memref<1000000x64xf32, #tpu.memory_space<hbm>>
      tpu.wait_indirect_dma semaphore(%arg25 : memref<!tpu.dma_semaphore, #tpu.memory_space<semaphore_mem>>) src(%dma_wait3A_330 : memref<1000000x64xf32, #tpu.memory_space<hbm>>) dst(%dma_wait3A_325 : memref<40x64xf32, #tpu.memory_space<vmem>>)
      %dma_wait3A_331 = arith.constant 120 : i32
      %dma_wait3A_332 = arith.constant 0 : i32
      %dma_wait3A_333 = tpu.memref_slice %arg9[%dma_wait3A_331, %dma_wait3A_332] : memref<200x64xf32, #tpu.memory_space<vmem>> -> memref<40x64xf32, #tpu.memory_space<vmem>>
      %dma_wait3A_334 = arith.constant 120 : i32
      %dma_wait3A_335 = tpu.memref_slice %arg17[%dma_wait3A_334] : memref<200xi32, #tpu.memory_space<vmem>> -> memref<40xi32, #tpu.memory_space<vmem>>
      %dma_wait3A_336 = arith.constant 0 : i32
      %dma_wait3A_337 = arith.constant 0 : i32
      %dma_wait3A_338 = tpu.memref_slice %arg2[%dma_wait3A_336, %dma_wait3A_337] : memref<1000000x64xf32, #tpu.memory_space<hbm>> -> memref<1000000x64xf32, #tpu.memory_space<hbm>>
      tpu.wait_indirect_dma semaphore(%arg25 : memref<!tpu.dma_semaphore, #tpu.memory_space<semaphore_mem>>) src(%dma_wait3A_338 : memref<1000000x64xf32, #tpu.memory_space<hbm>>) dst(%dma_wait3A_333 : memref<40x64xf32, #tpu.memory_space<vmem>>)
      %dma_wait3A_339 = arith.constant 160 : i32
      %dma_wait3A_340 = arith.constant 0 : i32
      %dma_wait3A_341 = tpu.memref_slice %arg9[%dma_wait3A_339, %dma_wait3A_340] : memref<200x64xf32, #tpu.memory_space<vmem>> -> memref<40x64xf32, #tpu.memory_space<vmem>>
      %dma_wait3A_342 = arith.constant 160 : i32
      %dma_wait3A_343 = tpu.memref_slice %arg17[%dma_wait3A_342] : memref<200xi32, #tpu.memory_space<vmem>> -> memref<40xi32, #tpu.memory_space<vmem>>
      %dma_wait3A_344 = arith.constant 0 : i32
      %dma_wait3A_345 = arith.constant 0 : i32
      %dma_wait3A_346 = tpu.memref_slice %arg2[%dma_wait3A_344, %dma_wait3A_345] : memref<1000000x64xf32, #tpu.memory_space<hbm>> -> memref<1000000x64xf32, #tpu.memory_space<hbm>>
      tpu.wait_indirect_dma semaphore(%arg25 : memref<!tpu.dma_semaphore, #tpu.memory_space<semaphore_mem>>) src(%dma_wait3A_346 : memref<1000000x64xf32, #tpu.memory_space<hbm>>) dst(%dma_wait3A_341 : memref<40x64xf32, #tpu.memory_space<vmem>>)
      %dma_wait3A_347 = arith.constant 0 : i32
      %dma_wait3A_348 = arith.constant 0 : i32
      %dma_wait3A_349 = tpu.memref_slice %arg7[%dma_wait3A_347, %dma_wait3A_348] : memref<200x64xf32, #tpu.memory_space<vmem_shared>> -> memref<200x64xf32, #tpu.memory_space<vmem_shared>>
      tpu.wait_indirect_dma semaphore(%arg29 : memref<!tpu.dma_semaphore, #tpu.memory_space<semaphore_mem>>) src(%dma_wait3A_349 : memref<200x64xf32, #tpu.memory_space<vmem_shared>>) dst(%arg13 : memref<200x64xf32, #tpu.memory_space<vmem>>)
      %add3A_350 = arith.constant 4 : i32
      %add3A_351 = arith.addi %add3A_299, %add3A_350 : i32
      %lt3A_352 = arith.constant 128 : i32
      %lt3A_353 = arith.cmpi slt, %add3A_351, %lt3A_352 : i32
      %convert_element_type3A_354 = arith.extui %lt3A_353 : i1 to i32
      %cond3A_355 = arith.constant 0 : i32
      %cond3A_356 = arith.cmpi ne, %convert_element_type3A_354, %cond3A_355 : i32
      scf.if %cond3A_356 {
        %add3A_521 = arith.constant 4 : i32
        %add3A_522 = arith.addi %add3A_299, %add3A_521 : i32
        %add3A_523 = arith.addi %mul3A_2, %add3A_522 : i32
        %dma_start3A_524 = arith.constant 0 : i32
        %dma_start3A_525 = tpu.memref_slice %arg4[%add3A_523, %dma_start3A_524] : memref<4096x200xi32, #tpu.memory_space<hbm>> -> memref<1x200xi32, #tpu.memory_space<hbm>>
        %dma_start3A_526 = tpu.memref_squeeze %dma_start3A_525 : memref<1x200xi32, #tpu.memory_space<hbm>> -> memref<200xi32, #tpu.memory_space<hbm>>
        %dma_start3A_527 = arith.constant 0 : i32
        %dma_start3A_528 = tpu.memref_slice %arg4[%add3A_523, %dma_start3A_527] : memref<4096x200xi32, #tpu.memory_space<hbm>> -> memref<1x200xi32, #tpu.memory_space<hbm>>
        %dma_start3A_529 = tpu.memref_squeeze %dma_start3A_528 : memref<1x200xi32, #tpu.memory_space<hbm>> -> memref<200xi32, #tpu.memory_space<hbm>>
        tpu.enqueue_dma source(%dma_start3A_529 : memref<200xi32, #tpu.memory_space<hbm>>) target(%arg17 : memref<200xi32, #tpu.memory_space<vmem>>) target_semaphore(%arg37 : memref<!tpu.dma_semaphore, #tpu.memory_space<semaphore_mem>>)
        %dma_start3A_530 = arith.constant 0 : i32
        %dma_start3A_531 = tpu.memref_slice %arg5[%add3A_523, %dma_start3A_530] : memref<4096x200xi32, #tpu.memory_space<hbm>> -> memref<1x200xi32, #tpu.memory_space<hbm>>
        %dma_start3A_532 = tpu.memref_squeeze %dma_start3A_531 : memref<1x200xi32, #tpu.memory_space<hbm>> -> memref<200xi32, #tpu.memory_space<hbm>>
        %dma_start3A_533 = arith.constant 0 : i32
        %dma_start3A_534 = tpu.memref_slice %arg5[%add3A_523, %dma_start3A_533] : memref<4096x200xi32, #tpu.memory_space<hbm>> -> memref<1x200xi32, #tpu.memory_space<hbm>>
        %dma_start3A_535 = tpu.memref_squeeze %dma_start3A_534 : memref<1x200xi32, #tpu.memory_space<hbm>> -> memref<200xi32, #tpu.memory_space<hbm>>
        tpu.enqueue_dma source(%dma_start3A_535 : memref<200xi32, #tpu.memory_space<hbm>>) target(%arg21 : memref<200xi32, #tpu.memory_space<vmem>>) target_semaphore(%arg37 : memref<!tpu.dma_semaphore, #tpu.memory_space<semaphore_mem>>)
      } else {
      }
      %scan3A_357 = arith.constant 0 : i32
      %scan3A_358 = arith.constant 200 : i32
      %scan3A_359 = arith.addi %scan3A_357, %scan3A_358 : i32
      %scan3A_360 = arith.constant 1 : i32
      scf.for %scan3A_521 = %scan3A_357 to %scan3A_359 step %scan3A_360  : i32 {
        %mul3A_522 = arith.constant 1 : i32
        %mul3A_523 = arith.muli %scan3A_521, %mul3A_522 : i32
        %add3A_524 = arith.constant 0 : i32
        %add3A_525 = arith.addi %add3A_524, %mul3A_523 : i32
        %get3A = arith.index_cast %add3A_525 : i32 to index
        %get3A_526 = arith.constant 0 : index
        %get3A_527 = tpu.vector_load %arg9[%get3A, %get3A_526] {strides = array<i32>} : memref<200x64xf32, #tpu.memory_space<vmem>>, vector<1x16xf32>,
        %get3A_528 = vector.shape_cast %get3A_527 : vector<1x16xf32> to vector<16xf32>
        %get3A_529 = arith.index_cast %add3A_525 : i32 to index
        %get3A_530 = arith.constant 0 : index
        %get3A_531 = tpu.vector_load %arg13[%get3A_529, %get3A_530] {strides = array<i32>} : memref<200x64xf32, #tpu.memory_space<vmem>>, vector<1x16xf32>,
        %get3A_532 = vector.shape_cast %get3A_531 : vector<1x16xf32> to vector<16xf32>
        %add3A_533 = arith.addf %get3A_528, %get3A_532 : vector<16xf32>
        %swap3A = arith.index_cast %add3A_525 : i32 to index
        %swap3A_534 = arith.constant 0 : index
        %swap3A_535 = tpu.vector_load %arg9[%swap3A, %swap3A_534] {strides = array<i32>} : memref<200x64xf32, #tpu.memory_space<vmem>>, vector<1x16xf32>,
        %swap3A_536 = vector.shape_cast %swap3A_535 : vector<1x16xf32> to vector<16xf32>
        %swap3A_537 = vector.shape_cast %add3A_533 : vector<16xf32> to vector<1x16xf32>
        tpu.vector_store %arg9[%swap3A, %swap3A_534], %swap3A_537 {strides = array<i32>} : memref<200x64xf32, #tpu.memory_space<vmem>>, vector<1x16xf32>,
        %get3A_538 = arith.index_cast %add3A_525 : i32 to index
        %get3A_539 = arith.constant 16 : index
        %get3A_540 = tpu.vector_load %arg9[%get3A_538, %get3A_539] {strides = array<i32>} : memref<200x64xf32, #tpu.memory_space<vmem>>, vector<1x16xf32>,
        %get3A_541 = vector.shape_cast %get3A_540 : vector<1x16xf32> to vector<16xf32>
        %get3A_542 = arith.index_cast %add3A_525 : i32 to index
        %get3A_543 = arith.constant 16 : index
        %get3A_544 = tpu.vector_load %arg13[%get3A_542, %get3A_543] {strides = array<i32>} : memref<200x64xf32, #tpu.memory_space<vmem>>, vector<1x16xf32>,
        %get3A_545 = vector.shape_cast %get3A_544 : vector<1x16xf32> to vector<16xf32>
        %add3A_546 = arith.addf %get3A_541, %get3A_545 : vector<16xf32>
        %swap3A_547 = arith.index_cast %add3A_525 : i32 to index
        %swap3A_548 = arith.constant 16 : index
        %swap3A_549 = tpu.vector_load %arg9[%swap3A_547, %swap3A_548] {strides = array<i32>} : memref<200x64xf32, #tpu.memory_space<vmem>>, vector<1x16xf32>,
        %swap3A_550 = vector.shape_cast %swap3A_549 : vector<1x16xf32> to vector<16xf32>
        %swap3A_551 = vector.shape_cast %add3A_546 : vector<16xf32> to vector<1x16xf32>
        tpu.vector_store %arg9[%swap3A_547, %swap3A_548], %swap3A_551 {strides = array<i32>} : memref<200x64xf32, #tpu.memory_space<vmem>>, vector<1x16xf32>,
        %get3A_552 = arith.index_cast %add3A_525 : i32 to index
        %get3A_553 = arith.constant 32 : index
        %get3A_554 = tpu.vector_load %arg9[%get3A_552, %get3A_553] {strides = array<i32>} : memref<200x64xf32, #tpu.memory_space<vmem>>, vector<1x16xf32>,
        %get3A_555 = vector.shape_cast %get3A_554 : vector<1x16xf32> to vector<16xf32>
        %get3A_556 = arith.index_cast %add3A_525 : i32 to index
        %get3A_557 = arith.constant 32 : index
        %get3A_558 = tpu.vector_load %arg13[%get3A_556, %get3A_557] {strides = array<i32>} : memref<200x64xf32, #tpu.memory_space<vmem>>, vector<1x16xf32>,
        %get3A_559 = vector.shape_cast %get3A_558 : vector<1x16xf32> to vector<16xf32>
        %add3A_560 = arith.addf %get3A_555, %get3A_559 : vector<16xf32>
        %swap3A_561 = arith.index_cast %add3A_525 : i32 to index
        %swap3A_562 = arith.constant 32 : index
        %swap3A_563 = tpu.vector_load %arg9[%swap3A_561, %swap3A_562] {strides = array<i32>} : memref<200x64xf32, #tpu.memory_space<vmem>>, vector<1x16xf32>,
        %swap3A_564 = vector.shape_cast %swap3A_563 : vector<1x16xf32> to vector<16xf32>
        %swap3A_565 = vector.shape_cast %add3A_560 : vector<16xf32> to vector<1x16xf32>
        tpu.vector_store %arg9[%swap3A_561, %swap3A_562], %swap3A_565 {strides = array<i32>} : memref<200x64xf32, #tpu.memory_space<vmem>>, vector<1x16xf32>,
        %get3A_566 = arith.index_cast %add3A_525 : i32 to index
        %get3A_567 = arith.constant 48 : index
        %get3A_568 = tpu.vector_load %arg9[%get3A_566, %get3A_567] {strides = array<i32>} : memref<200x64xf32, #tpu.memory_space<vmem>>, vector<1x16xf32>,
        %get3A_569 = vector.shape_cast %get3A_568 : vector<1x16xf32> to vector<16xf32>
        %get3A_570 = arith.index_cast %add3A_525 : i32 to index
        %get3A_571 = arith.constant 48 : index
        %get3A_572 = tpu.vector_load %arg13[%get3A_570, %get3A_571] {strides = array<i32>} : memref<200x64xf32, #tpu.memory_space<vmem>>, vector<1x16xf32>,
        %get3A_573 = vector.shape_cast %get3A_572 : vector<1x16xf32> to vector<16xf32>
        %add3A_574 = arith.addf %get3A_569, %get3A_573 : vector<16xf32>
        %swap3A_575 = arith.index_cast %add3A_525 : i32 to index
        %swap3A_576 = arith.constant 48 : index
        %swap3A_577 = tpu.vector_load %arg9[%swap3A_575, %swap3A_576] {strides = array<i32>} : memref<200x64xf32, #tpu.memory_space<vmem>>, vector<1x16xf32>,
        %swap3A_578 = vector.shape_cast %swap3A_577 : vector<1x16xf32> to vector<16xf32>
        %swap3A_579 = vector.shape_cast %add3A_574 : vector<16xf32> to vector<1x16xf32>
        tpu.vector_store %arg9[%swap3A_575, %swap3A_576], %swap3A_579 {strides = array<i32>} : memref<200x64xf32, #tpu.memory_space<vmem>>, vector<1x16xf32>,
      }
      %scan3A_361 = arith.constant 200 : i32
      %add3A_362 = arith.addi %mul3A_2, %add3A_299 : i32
      %dma_start3A_363 = arith.constant 0 : i32
      %dma_start3A_364 = arith.constant 0 : i32
      %dma_start3A_365 = tpu.memref_slice %arg6[%add3A_362, %dma_start3A_363, %dma_start3A_364] : memref<4096x200x128xf32, #tpu.memory_space<hbm>> -> memref<1x200x64xf32, #tpu.memory_space<hbm>>
      %dma_start3A_366 = tpu.memref_squeeze %dma_start3A_365 : memref<1x200x64xf32, #tpu.memory_space<hbm>> -> memref<200x64xf32, #tpu.memory_space<hbm>>
      %dma_start3A_367 = arith.constant 0 : i32
      %dma_start3A_368 = arith.constant 0 : i32
      %dma_start3A_369 = tpu.memref_slice %arg6[%add3A_362, %dma_start3A_367, %dma_start3A_368] : memref<4096x200x128xf32, #tpu.memory_space<hbm>> -> memref<1x200x64xf32, #tpu.memory_space<hbm>>
      %dma_start3A_370 = tpu.memref_squeeze %dma_start3A_369 : memref<1x200x64xf32, #tpu.memory_space<hbm>> -> memref<200x64xf32, #tpu.memory_space<hbm>>
      tpu.enqueue_dma source(%arg9 : memref<200x64xf32, #tpu.memory_space<vmem>>) target(%dma_start3A_370 : memref<200x64xf32, #tpu.memory_space<hbm>>) target_semaphore(%arg33 : memref<!tpu.dma_semaphore, #tpu.memory_space<semaphore_mem>>)
      %mul3A_371 = arith.constant 4 : i32
      %mul3A_372 = arith.muli %add3A_221, %mul3A_371 : i32
      %add3A_373 = arith.constant 2 : i32
      %add3A_374 = arith.addi %mul3A_372, %add3A_373 : i32
      %add3A_375 = arith.constant 2 : i32
      %add3A_376 = arith.addi %add3A_374, %add3A_375 : i32
      %lt3A_377 = arith.constant 128 : i32
      %lt3A_378 = arith.cmpi slt, %add3A_376, %lt3A_377 : i32
      %convert_element_type3A_379 = arith.extui %lt3A_378 : i1 to i32
      %cond3A_380 = arith.constant 0 : i32
      %cond3A_381 = arith.cmpi ne, %convert_element_type3A_379, %cond3A_380 : i32
      scf.if %cond3A_381 {
        %add3A_521 = arith.constant 2 : i32
        %add3A_522 = arith.addi %add3A_374, %add3A_521 : i32
        %add3A_523 = arith.addi %mul3A_2, %add3A_522 : i32
        %dma_wait3A_524 = arith.constant 0 : i32
        %dma_wait3A_525 = tpu.memref_slice %arg4[%add3A_523, %dma_wait3A_524] : memref<4096x200xi32, #tpu.memory_space<hbm>> -> memref<1x200xi32, #tpu.memory_space<hbm>>
        %dma_wait3A_526 = tpu.memref_squeeze %dma_wait3A_525 : memref<1x200xi32, #tpu.memory_space<hbm>> -> memref<200xi32, #tpu.memory_space<hbm>>
        %dma_wait3A_527 = arith.constant 0 : i32
        %dma_wait3A_528 = tpu.memref_slice %arg4[%add3A_523, %dma_wait3A_527] : memref<4096x200xi32, #tpu.memory_space<hbm>> -> memref<1x200xi32, #tpu.memory_space<hbm>>
        %dma_wait3A_529 = tpu.memref_squeeze %dma_wait3A_528 : memref<1x200xi32, #tpu.memory_space<hbm>> -> memref<200xi32, #tpu.memory_space<hbm>>
        tpu.wait_dma2 semaphore(%arg36 : memref<!tpu.dma_semaphore, #tpu.memory_space<semaphore_mem>>) src(%dma_wait3A_529 : memref<200xi32, #tpu.memory_space<hbm>>) dst(%arg16 : memref<200xi32, #tpu.memory_space<vmem>>)
        %dma_wait3A_530 = arith.constant 0 : i32
        %dma_wait3A_531 = tpu.memref_slice %arg5[%add3A_523, %dma_wait3A_530] : memref<4096x200xi32, #tpu.memory_space<hbm>> -> memref<1x200xi32, #tpu.memory_space<hbm>>
        %dma_wait3A_532 = tpu.memref_squeeze %dma_wait3A_531 : memref<1x200xi32, #tpu.memory_space<hbm>> -> memref<200xi32, #tpu.memory_space<hbm>>
        %dma_wait3A_533 = arith.constant 0 : i32
        %dma_wait3A_534 = tpu.memref_slice %arg5[%add3A_523, %dma_wait3A_533] : memref<4096x200xi32, #tpu.memory_space<hbm>> -> memref<1x200xi32, #tpu.memory_space<hbm>>
        %dma_wait3A_535 = tpu.memref_squeeze %dma_wait3A_534 : memref<1x200xi32, #tpu.memory_space<hbm>> -> memref<200xi32, #tpu.memory_space<hbm>>
        tpu.wait_dma2 semaphore(%arg36 : memref<!tpu.dma_semaphore, #tpu.memory_space<semaphore_mem>>) src(%dma_wait3A_535 : memref<200xi32, #tpu.memory_space<hbm>>) dst(%arg20 : memref<200xi32, #tpu.memory_space<vmem>>)
        %ge3A = arith.constant 2 : i32
        %ge3A_536 = arith.cmpi sge, %add3A_374, %ge3A : i32
        %convert_element_type3A_537 = arith.extui %ge3A_536 : i1 to i32
        %cond3A_538 = arith.constant 0 : i32
        %cond3A_539 = arith.cmpi ne, %convert_element_type3A_537, %cond3A_538 : i32
        scf.if %cond3A_539 {
          %sub3A = arith.constant 2 : i32
          %sub3A_583 = arith.subi %add3A_374, %sub3A : i32
          %add3A_584 = arith.addi %mul3A_2, %sub3A_583 : i32
          %dma_wait3A_585 = arith.constant 0 : i32
          %dma_wait3A_586 = arith.constant 0 : i32
          %dma_wait3A_587 = tpu.memref_slice %arg6[%add3A_584, %dma_wait3A_585, %dma_wait3A_586] : memref<4096x200x128xf32, #tpu.memory_space<hbm>> -> memref<1x200x64xf32, #tpu.memory_space<hbm>>
          %dma_wait3A_588 = tpu.memref_squeeze %dma_wait3A_587 : memref<1x200x64xf32, #tpu.memory_space<hbm>> -> memref<200x64xf32, #tpu.memory_space<hbm>>
          %dma_wait3A_589 = arith.constant 0 : i32
          %dma_wait3A_590 = arith.constant 0 : i32
          %dma_wait3A_591 = tpu.memref_slice %arg6[%add3A_584, %dma_wait3A_589, %dma_wait3A_590] : memref<4096x200x128xf32, #tpu.memory_space<hbm>> -> memref<1x200x64xf32, #tpu.memory_space<hbm>>
          %dma_wait3A_592 = tpu.memref_squeeze %dma_wait3A_591 : memref<1x200x64xf32, #tpu.memory_space<hbm>> -> memref<200x64xf32, #tpu.memory_space<hbm>>
          tpu.wait_dma2 semaphore(%arg32 : memref<!tpu.dma_semaphore, #tpu.memory_space<semaphore_mem>>) src(%arg8 : memref<200x64xf32, #tpu.memory_space<vmem>>) dst(%dma_wait3A_592 : memref<200x64xf32, #tpu.memory_space<hbm>>)
        } else {
        }
        %dma_start3A_540 = arith.constant 0 : i32
        %dma_start3A_541 = arith.constant 0 : i32
        %dma_start3A_542 = tpu.memref_slice %arg8[%dma_start3A_540, %dma_start3A_541] : memref<200x64xf32, #tpu.memory_space<vmem>> -> memref<40x64xf32, #tpu.memory_space<vmem>>
        %dma_start3A_543 = arith.constant 0 : i32
        %dma_start3A_544 = tpu.memref_slice %arg16[%dma_start3A_543] : memref<200xi32, #tpu.memory_space<vmem>> -> memref<40xi32, #tpu.memory_space<vmem>>
        %dma_start3A_545 = arith.constant 0 : i32
        %dma_start3A_546 = arith.constant 0 : i32
        %dma_start3A_547 = tpu.memref_slice %arg2[%dma_start3A_545, %dma_start3A_546] : memref<1000000x64xf32, #tpu.memory_space<hbm>> -> memref<1000000x64xf32, #tpu.memory_space<hbm>>
        tpu.enqueue_indirect_dma source(%dma_start3A_547 : memref<1000000x64xf32, #tpu.memory_space<hbm>>) target(%dma_start3A_542 : memref<40x64xf32, #tpu.memory_space<vmem>>) offsets(%dma_start3A_544 : memref<40xi32, #tpu.memory_space<vmem>>) semaphore(%arg24 : memref<!tpu.dma_semaphore, #tpu.memory_space<semaphore_mem>>)
        %dma_start3A_548 = arith.constant 40 : i32
        %dma_start3A_549 = arith.constant 0 : i32
        %dma_start3A_550 = tpu.memref_slice %arg8[%dma_start3A_548, %dma_start3A_549] : memref<200x64xf32, #tpu.memory_space<vmem>> -> memref<40x64xf32, #tpu.memory_space<vmem>>
        %dma_start3A_551 = arith.constant 40 : i32
        %dma_start3A_552 = tpu.memref_slice %arg16[%dma_start3A_551] : memref<200xi32, #tpu.memory_space<vmem>> -> memref<40xi32, #tpu.memory_space<vmem>>
        %dma_start3A_553 = arith.constant 0 : i32
        %dma_start3A_554 = arith.constant 0 : i32
        %dma_start3A_555 = tpu.memref_slice %arg2[%dma_start3A_553, %dma_start3A_554] : memref<1000000x64xf32, #tpu.memory_space<hbm>> -> memref<1000000x64xf32, #tpu.memory_space<hbm>>
        tpu.enqueue_indirect_dma source(%dma_start3A_555 : memref<1000000x64xf32, #tpu.memory_space<hbm>>) target(%dma_start3A_550 : memref<40x64xf32, #tpu.memory_space<vmem>>) offsets(%dma_start3A_552 : memref<40xi32, #tpu.memory_space<vmem>>) semaphore(%arg24 : memref<!tpu.dma_semaphore, #tpu.memory_space<semaphore_mem>>)
        %dma_start3A_556 = arith.constant 80 : i32
        %dma_start3A_557 = arith.constant 0 : i32
        %dma_start3A_558 = tpu.memref_slice %arg8[%dma_start3A_556, %dma_start3A_557] : memref<200x64xf32, #tpu.memory_space<vmem>> -> memref<40x64xf32, #tpu.memory_space<vmem>>
        %dma_start3A_559 = arith.constant 80 : i32
        %dma_start3A_560 = tpu.memref_slice %arg16[%dma_start3A_559] : memref<200xi32, #tpu.memory_space<vmem>> -> memref<40xi32, #tpu.memory_space<vmem>>
        %dma_start3A_561 = arith.constant 0 : i32
        %dma_start3A_562 = arith.constant 0 : i32
        %dma_start3A_563 = tpu.memref_slice %arg2[%dma_start3A_561, %dma_start3A_562] : memref<1000000x64xf32, #tpu.memory_space<hbm>> -> memref<1000000x64xf32, #tpu.memory_space<hbm>>
        tpu.enqueue_indirect_dma source(%dma_start3A_563 : memref<1000000x64xf32, #tpu.memory_space<hbm>>) target(%dma_start3A_558 : memref<40x64xf32, #tpu.memory_space<vmem>>) offsets(%dma_start3A_560 : memref<40xi32, #tpu.memory_space<vmem>>) semaphore(%arg24 : memref<!tpu.dma_semaphore, #tpu.memory_space<semaphore_mem>>)
        %dma_start3A_564 = arith.constant 120 : i32
        %dma_start3A_565 = arith.constant 0 : i32
        %dma_start3A_566 = tpu.memref_slice %arg8[%dma_start3A_564, %dma_start3A_565] : memref<200x64xf32, #tpu.memory_space<vmem>> -> memref<40x64xf32, #tpu.memory_space<vmem>>
        %dma_start3A_567 = arith.constant 120 : i32
        %dma_start3A_568 = tpu.memref_slice %arg16[%dma_start3A_567] : memref<200xi32, #tpu.memory_space<vmem>> -> memref<40xi32, #tpu.memory_space<vmem>>
        %dma_start3A_569 = arith.constant 0 : i32
        %dma_start3A_570 = arith.constant 0 : i32
        %dma_start3A_571 = tpu.memref_slice %arg2[%dma_start3A_569, %dma_start3A_570] : memref<1000000x64xf32, #tpu.memory_space<hbm>> -> memref<1000000x64xf32, #tpu.memory_space<hbm>>
        tpu.enqueue_indirect_dma source(%dma_start3A_571 : memref<1000000x64xf32, #tpu.memory_space<hbm>>) target(%dma_start3A_566 : memref<40x64xf32, #tpu.memory_space<vmem>>) offsets(%dma_start3A_568 : memref<40xi32, #tpu.memory_space<vmem>>) semaphore(%arg24 : memref<!tpu.dma_semaphore, #tpu.memory_space<semaphore_mem>>)
        %dma_start3A_572 = arith.constant 160 : i32
        %dma_start3A_573 = arith.constant 0 : i32
        %dma_start3A_574 = tpu.memref_slice %arg8[%dma_start3A_572, %dma_start3A_573] : memref<200x64xf32, #tpu.memory_space<vmem>> -> memref<40x64xf32, #tpu.memory_space<vmem>>
        %dma_start3A_575 = arith.constant 160 : i32
        %dma_start3A_576 = tpu.memref_slice %arg16[%dma_start3A_575] : memref<200xi32, #tpu.memory_space<vmem>> -> memref<40xi32, #tpu.memory_space<vmem>>
        %dma_start3A_577 = arith.constant 0 : i32
        %dma_start3A_578 = arith.constant 0 : i32
        %dma_start3A_579 = tpu.memref_slice %arg2[%dma_start3A_577, %dma_start3A_578] : memref<1000000x64xf32, #tpu.memory_space<hbm>> -> memref<1000000x64xf32, #tpu.memory_space<hbm>>
        tpu.enqueue_indirect_dma source(%dma_start3A_579 : memref<1000000x64xf32, #tpu.memory_space<hbm>>) target(%dma_start3A_574 : memref<40x64xf32, #tpu.memory_space<vmem>>) offsets(%dma_start3A_576 : memref<40xi32, #tpu.memory_space<vmem>>) semaphore(%arg24 : memref<!tpu.dma_semaphore, #tpu.memory_space<semaphore_mem>>)
        %dma_start3A_580 = arith.constant 0 : i32
        %dma_start3A_581 = arith.constant 0 : i32
        %dma_start3A_582 = tpu.memref_slice %arg7[%dma_start3A_580, %dma_start3A_581] : memref<200x64xf32, #tpu.memory_space<vmem_shared>> -> memref<200x64xf32, #tpu.memory_space<vmem_shared>>
        tpu.enqueue_indirect_dma source(%dma_start3A_582 : memref<200x64xf32, #tpu.memory_space<vmem_shared>>) target(%arg12 : memref<200x64xf32, #tpu.memory_space<vmem>>) offsets(%arg20 : memref<200xi32, #tpu.memory_space<vmem>>) semaphore(%arg28 : memref<!tpu.dma_semaphore, #tpu.memory_space<semaphore_mem>>)
      } else {
      }
      %dma_wait3A_382 = arith.constant 0 : i32
      %dma_wait3A_383 = arith.constant 0 : i32
      %dma_wait3A_384 = tpu.memref_slice %arg10[%dma_wait3A_382, %dma_wait3A_383] : memref<200x64xf32, #tpu.memory_space<vmem>> -> memref<40x64xf32, #tpu.memory_space<vmem>>
      %dma_wait3A_385 = arith.constant 0 : i32
      %dma_wait3A_386 = tpu.memref_slice %arg18[%dma_wait3A_385] : memref<200xi32, #tpu.memory_space<vmem>> -> memref<40xi32, #tpu.memory_space<vmem>>
      %dma_wait3A_387 = arith.constant 0 : i32
      %dma_wait3A_388 = arith.constant 0 : i32
      %dma_wait3A_389 = tpu.memref_slice %arg2[%dma_wait3A_387, %dma_wait3A_388] : memref<1000000x64xf32, #tpu.memory_space<hbm>> -> memref<1000000x64xf32, #tpu.memory_space<hbm>>
      tpu.wait_indirect_dma semaphore(%arg26 : memref<!tpu.dma_semaphore, #tpu.memory_space<semaphore_mem>>) src(%dma_wait3A_389 : memref<1000000x64xf32, #tpu.memory_space<hbm>>) dst(%dma_wait3A_384 : memref<40x64xf32, #tpu.memory_space<vmem>>)
      %dma_wait3A_390 = arith.constant 40 : i32
      %dma_wait3A_391 = arith.constant 0 : i32
      %dma_wait3A_392 = tpu.memref_slice %arg10[%dma_wait3A_390, %dma_wait3A_391] : memref<200x64xf32, #tpu.memory_space<vmem>> -> memref<40x64xf32, #tpu.memory_space<vmem>>
      %dma_wait3A_393 = arith.constant 40 : i32
      %dma_wait3A_394 = tpu.memref_slice %arg18[%dma_wait3A_393] : memref<200xi32, #tpu.memory_space<vmem>> -> memref<40xi32, #tpu.memory_space<vmem>>
      %dma_wait3A_395 = arith.constant 0 : i32
      %dma_wait3A_396 = arith.constant 0 : i32
      %dma_wait3A_397 = tpu.memref_slice %arg2[%dma_wait3A_395, %dma_wait3A_396] : memref<1000000x64xf32, #tpu.memory_space<hbm>> -> memref<1000000x64xf32, #tpu.memory_space<hbm>>
      tpu.wait_indirect_dma semaphore(%arg26 : memref<!tpu.dma_semaphore, #tpu.memory_space<semaphore_mem>>) src(%dma_wait3A_397 : memref<1000000x64xf32, #tpu.memory_space<hbm>>) dst(%dma_wait3A_392 : memref<40x64xf32, #tpu.memory_space<vmem>>)
      %dma_wait3A_398 = arith.constant 80 : i32
      %dma_wait3A_399 = arith.constant 0 : i32
      %dma_wait3A_400 = tpu.memref_slice %arg10[%dma_wait3A_398, %dma_wait3A_399] : memref<200x64xf32, #tpu.memory_space<vmem>> -> memref<40x64xf32, #tpu.memory_space<vmem>>
      %dma_wait3A_401 = arith.constant 80 : i32
      %dma_wait3A_402 = tpu.memref_slice %arg18[%dma_wait3A_401] : memref<200xi32, #tpu.memory_space<vmem>> -> memref<40xi32, #tpu.memory_space<vmem>>
      %dma_wait3A_403 = arith.constant 0 : i32
      %dma_wait3A_404 = arith.constant 0 : i32
      %dma_wait3A_405 = tpu.memref_slice %arg2[%dma_wait3A_403, %dma_wait3A_404] : memref<1000000x64xf32, #tpu.memory_space<hbm>> -> memref<1000000x64xf32, #tpu.memory_space<hbm>>
      tpu.wait_indirect_dma semaphore(%arg26 : memref<!tpu.dma_semaphore, #tpu.memory_space<semaphore_mem>>) src(%dma_wait3A_405 : memref<1000000x64xf32, #tpu.memory_space<hbm>>) dst(%dma_wait3A_400 : memref<40x64xf32, #tpu.memory_space<vmem>>)
      %dma_wait3A_406 = arith.constant 120 : i32
      %dma_wait3A_407 = arith.constant 0 : i32
      %dma_wait3A_408 = tpu.memref_slice %arg10[%dma_wait3A_406, %dma_wait3A_407] : memref<200x64xf32, #tpu.memory_space<vmem>> -> memref<40x64xf32, #tpu.memory_space<vmem>>
      %dma_wait3A_409 = arith.constant 120 : i32
      %dma_wait3A_410 = tpu.memref_slice %arg18[%dma_wait3A_409] : memref<200xi32, #tpu.memory_space<vmem>> -> memref<40xi32, #tpu.memory_space<vmem>>
      %dma_wait3A_411 = arith.constant 0 : i32
      %dma_wait3A_412 = arith.constant 0 : i32
      %dma_wait3A_413 = tpu.memref_slice %arg2[%dma_wait3A_411, %dma_wait3A_412] : memref<1000000x64xf32, #tpu.memory_space<hbm>> -> memref<1000000x64xf32, #tpu.memory_space<hbm>>
      tpu.wait_indirect_dma semaphore(%arg26 : memref<!tpu.dma_semaphore, #tpu.memory_space<semaphore_mem>>) src(%dma_wait3A_413 : memref<1000000x64xf32, #tpu.memory_space<hbm>>) dst(%dma_wait3A_408 : memref<40x64xf32, #tpu.memory_space<vmem>>)
      %dma_wait3A_414 = arith.constant 160 : i32
      %dma_wait3A_415 = arith.constant 0 : i32
      %dma_wait3A_416 = tpu.memref_slice %arg10[%dma_wait3A_414, %dma_wait3A_415] : memref<200x64xf32, #tpu.memory_space<vmem>> -> memref<40x64xf32, #tpu.memory_space<vmem>>
      %dma_wait3A_417 = arith.constant 160 : i32
      %dma_wait3A_418 = tpu.memref_slice %arg18[%dma_wait3A_417] : memref<200xi32, #tpu.memory_space<vmem>> -> memref<40xi32, #tpu.memory_space<vmem>>
      %dma_wait3A_419 = arith.constant 0 : i32
      %dma_wait3A_420 = arith.constant 0 : i32
      %dma_wait3A_421 = tpu.memref_slice %arg2[%dma_wait3A_419, %dma_wait3A_420] : memref<1000000x64xf32, #tpu.memory_space<hbm>> -> memref<1000000x64xf32, #tpu.memory_space<hbm>>
      tpu.wait_indirect_dma semaphore(%arg26 : memref<!tpu.dma_semaphore, #tpu.memory_space<semaphore_mem>>) src(%dma_wait3A_421 : memref<1000000x64xf32, #tpu.memory_space<hbm>>) dst(%dma_wait3A_416 : memref<40x64xf32, #tpu.memory_space<vmem>>)
      %dma_wait3A_422 = arith.constant 0 : i32
      %dma_wait3A_423 = arith.constant 0 : i32
      %dma_wait3A_424 = tpu.memref_slice %arg7[%dma_wait3A_422, %dma_wait3A_423] : memref<200x64xf32, #tpu.memory_space<vmem_shared>> -> memref<200x64xf32, #tpu.memory_space<vmem_shared>>
      tpu.wait_indirect_dma semaphore(%arg30 : memref<!tpu.dma_semaphore, #tpu.memory_space<semaphore_mem>>) src(%dma_wait3A_424 : memref<200x64xf32, #tpu.memory_space<vmem_shared>>) dst(%arg14 : memref<200x64xf32, #tpu.memory_space<vmem>>)
      %add3A_425 = arith.constant 4 : i32
      %add3A_426 = arith.addi %add3A_374, %add3A_425 : i32
      %lt3A_427 = arith.constant 128 : i32
      %lt3A_428 = arith.cmpi slt, %add3A_426, %lt3A_427 : i32
      %convert_element_type3A_429 = arith.extui %lt3A_428 : i1 to i32
      %cond3A_430 = arith.constant 0 : i32
      %cond3A_431 = arith.cmpi ne, %convert_element_type3A_429, %cond3A_430 : i32
      scf.if %cond3A_431 {
        %add3A_521 = arith.constant 4 : i32
        %add3A_522 = arith.addi %add3A_374, %add3A_521 : i32
        %add3A_523 = arith.addi %mul3A_2, %add3A_522 : i32
        %dma_start3A_524 = arith.constant 0 : i32
        %dma_start3A_525 = tpu.memref_slice %arg4[%add3A_523, %dma_start3A_524] : memref<4096x200xi32, #tpu.memory_space<hbm>> -> memref<1x200xi32, #tpu.memory_space<hbm>>
        %dma_start3A_526 = tpu.memref_squeeze %dma_start3A_525 : memref<1x200xi32, #tpu.memory_space<hbm>> -> memref<200xi32, #tpu.memory_space<hbm>>
        %dma_start3A_527 = arith.constant 0 : i32
        %dma_start3A_528 = tpu.memref_slice %arg4[%add3A_523, %dma_start3A_527] : memref<4096x200xi32, #tpu.memory_space<hbm>> -> memref<1x200xi32, #tpu.memory_space<hbm>>
        %dma_start3A_529 = tpu.memref_squeeze %dma_start3A_528 : memref<1x200xi32, #tpu.memory_space<hbm>> -> memref<200xi32, #tpu.memory_space<hbm>>
        tpu.enqueue_dma source(%dma_start3A_529 : memref<200xi32, #tpu.memory_space<hbm>>) target(%arg18 : memref<200xi32, #tpu.memory_space<vmem>>) target_semaphore(%arg38 : memref<!tpu.dma_semaphore, #tpu.memory_space<semaphore_mem>>)
        %dma_start3A_530 = arith.constant 0 : i32
        %dma_start3A_531 = tpu.memref_slice %arg5[%add3A_523, %dma_start3A_530] : memref<4096x200xi32, #tpu.memory_space<hbm>> -> memref<1x200xi32, #tpu.memory_space<hbm>>
        %dma_start3A_532 = tpu.memref_squeeze %dma_start3A_531 : memref<1x200xi32, #tpu.memory_space<hbm>> -> memref<200xi32, #tpu.memory_space<hbm>>
        %dma_start3A_533 = arith.constant 0 : i32
        %dma_start3A_534 = tpu.memref_slice %arg5[%add3A_523, %dma_start3A_533] : memref<4096x200xi32, #tpu.memory_space<hbm>> -> memref<1x200xi32, #tpu.memory_space<hbm>>
        %dma_start3A_535 = tpu.memref_squeeze %dma_start3A_534 : memref<1x200xi32, #tpu.memory_space<hbm>> -> memref<200xi32, #tpu.memory_space<hbm>>
        tpu.enqueue_dma source(%dma_start3A_535 : memref<200xi32, #tpu.memory_space<hbm>>) target(%arg22 : memref<200xi32, #tpu.memory_space<vmem>>) target_semaphore(%arg38 : memref<!tpu.dma_semaphore, #tpu.memory_space<semaphore_mem>>)
      } else {
      }
      %scan3A_432 = arith.constant 0 : i32
      %scan3A_433 = arith.constant 200 : i32
      %scan3A_434 = arith.addi %scan3A_432, %scan3A_433 : i32
      %scan3A_435 = arith.constant 1 : i32
      scf.for %scan3A_521 = %scan3A_432 to %scan3A_434 step %scan3A_435  : i32 {
        %mul3A_522 = arith.constant 1 : i32
        %mul3A_523 = arith.muli %scan3A_521, %mul3A_522 : i32
        %add3A_524 = arith.constant 0 : i32
        %add3A_525 = arith.addi %add3A_524, %mul3A_523 : i32
        %get3A = arith.index_cast %add3A_525 : i32 to index
        %get3A_526 = arith.constant 0 : index
        %get3A_527 = tpu.vector_load %arg10[%get3A, %get3A_526] {strides = array<i32>} : memref<200x64xf32, #tpu.memory_space<vmem>>, vector<1x16xf32>,
        %get3A_528 = vector.shape_cast %get3A_527 : vector<1x16xf32> to vector<16xf32>
        %get3A_529 = arith.index_cast %add3A_525 : i32 to index
        %get3A_530 = arith.constant 0 : index
        %get3A_531 = tpu.vector_load %arg14[%get3A_529, %get3A_530] {strides = array<i32>} : memref<200x64xf32, #tpu.memory_space<vmem>>, vector<1x16xf32>,
        %get3A_532 = vector.shape_cast %get3A_531 : vector<1x16xf32> to vector<16xf32>
        %add3A_533 = arith.addf %get3A_528, %get3A_532 : vector<16xf32>
        %swap3A = arith.index_cast %add3A_525 : i32 to index
        %swap3A_534 = arith.constant 0 : index
        %swap3A_535 = tpu.vector_load %arg10[%swap3A, %swap3A_534] {strides = array<i32>} : memref<200x64xf32, #tpu.memory_space<vmem>>, vector<1x16xf32>,
        %swap3A_536 = vector.shape_cast %swap3A_535 : vector<1x16xf32> to vector<16xf32>
        %swap3A_537 = vector.shape_cast %add3A_533 : vector<16xf32> to vector<1x16xf32>
        tpu.vector_store %arg10[%swap3A, %swap3A_534], %swap3A_537 {strides = array<i32>} : memref<200x64xf32, #tpu.memory_space<vmem>>, vector<1x16xf32>,
        %get3A_538 = arith.index_cast %add3A_525 : i32 to index
        %get3A_539 = arith.constant 16 : index
        %get3A_540 = tpu.vector_load %arg10[%get3A_538, %get3A_539] {strides = array<i32>} : memref<200x64xf32, #tpu.memory_space<vmem>>, vector<1x16xf32>,
        %get3A_541 = vector.shape_cast %get3A_540 : vector<1x16xf32> to vector<16xf32>
        %get3A_542 = arith.index_cast %add3A_525 : i32 to index
        %get3A_543 = arith.constant 16 : index
        %get3A_544 = tpu.vector_load %arg14[%get3A_542, %get3A_543] {strides = array<i32>} : memref<200x64xf32, #tpu.memory_space<vmem>>, vector<1x16xf32>,
        %get3A_545 = vector.shape_cast %get3A_544 : vector<1x16xf32> to vector<16xf32>
        %add3A_546 = arith.addf %get3A_541, %get3A_545 : vector<16xf32>
        %swap3A_547 = arith.index_cast %add3A_525 : i32 to index
        %swap3A_548 = arith.constant 16 : index
        %swap3A_549 = tpu.vector_load %arg10[%swap3A_547, %swap3A_548] {strides = array<i32>} : memref<200x64xf32, #tpu.memory_space<vmem>>, vector<1x16xf32>,
        %swap3A_550 = vector.shape_cast %swap3A_549 : vector<1x16xf32> to vector<16xf32>
        %swap3A_551 = vector.shape_cast %add3A_546 : vector<16xf32> to vector<1x16xf32>
        tpu.vector_store %arg10[%swap3A_547, %swap3A_548], %swap3A_551 {strides = array<i32>} : memref<200x64xf32, #tpu.memory_space<vmem>>, vector<1x16xf32>,
        %get3A_552 = arith.index_cast %add3A_525 : i32 to index
        %get3A_553 = arith.constant 32 : index
        %get3A_554 = tpu.vector_load %arg10[%get3A_552, %get3A_553] {strides = array<i32>} : memref<200x64xf32, #tpu.memory_space<vmem>>, vector<1x16xf32>,
        %get3A_555 = vector.shape_cast %get3A_554 : vector<1x16xf32> to vector<16xf32>
        %get3A_556 = arith.index_cast %add3A_525 : i32 to index
        %get3A_557 = arith.constant 32 : index
        %get3A_558 = tpu.vector_load %arg14[%get3A_556, %get3A_557] {strides = array<i32>} : memref<200x64xf32, #tpu.memory_space<vmem>>, vector<1x16xf32>,
        %get3A_559 = vector.shape_cast %get3A_558 : vector<1x16xf32> to vector<16xf32>
        %add3A_560 = arith.addf %get3A_555, %get3A_559 : vector<16xf32>
        %swap3A_561 = arith.index_cast %add3A_525 : i32 to index
        %swap3A_562 = arith.constant 32 : index
        %swap3A_563 = tpu.vector_load %arg10[%swap3A_561, %swap3A_562] {strides = array<i32>} : memref<200x64xf32, #tpu.memory_space<vmem>>, vector<1x16xf32>,
        %swap3A_564 = vector.shape_cast %swap3A_563 : vector<1x16xf32> to vector<16xf32>
        %swap3A_565 = vector.shape_cast %add3A_560 : vector<16xf32> to vector<1x16xf32>
        tpu.vector_store %arg10[%swap3A_561, %swap3A_562], %swap3A_565 {strides = array<i32>} : memref<200x64xf32, #tpu.memory_space<vmem>>, vector<1x16xf32>,
        %get3A_566 = arith.index_cast %add3A_525 : i32 to index
        %get3A_567 = arith.constant 48 : index
        %get3A_568 = tpu.vector_load %arg10[%get3A_566, %get3A_567] {strides = array<i32>} : memref<200x64xf32, #tpu.memory_space<vmem>>, vector<1x16xf32>,
        %get3A_569 = vector.shape_cast %get3A_568 : vector<1x16xf32> to vector<16xf32>
        %get3A_570 = arith.index_cast %add3A_525 : i32 to index
        %get3A_571 = arith.constant 48 : index
        %get3A_572 = tpu.vector_load %arg14[%get3A_570, %get3A_571] {strides = array<i32>} : memref<200x64xf32, #tpu.memory_space<vmem>>, vector<1x16xf32>,
        %get3A_573 = vector.shape_cast %get3A_572 : vector<1x16xf32> to vector<16xf32>
        %add3A_574 = arith.addf %get3A_569, %get3A_573 : vector<16xf32>
        %swap3A_575 = arith.index_cast %add3A_525 : i32 to index
        %swap3A_576 = arith.constant 48 : index
        %swap3A_577 = tpu.vector_load %arg10[%swap3A_575, %swap3A_576] {strides = array<i32>} : memref<200x64xf32, #tpu.memory_space<vmem>>, vector<1x16xf32>,
        %swap3A_578 = vector.shape_cast %swap3A_577 : vector<1x16xf32> to vector<16xf32>
        %swap3A_579 = vector.shape_cast %add3A_574 : vector<16xf32> to vector<1x16xf32>
        tpu.vector_store %arg10[%swap3A_575, %swap3A_576], %swap3A_579 {strides = array<i32>} : memref<200x64xf32, #tpu.memory_space<vmem>>, vector<1x16xf32>,
      }
      %scan3A_436 = arith.constant 200 : i32
      %add3A_437 = arith.addi %mul3A_2, %add3A_374 : i32
      %dma_start3A_438 = arith.constant 0 : i32
      %dma_start3A_439 = arith.constant 0 : i32
      %dma_start3A_440 = tpu.memref_slice %arg6[%add3A_437, %dma_start3A_438, %dma_start3A_439] : memref<4096x200x128xf32, #tpu.memory_space<hbm>> -> memref<1x200x64xf32, #tpu.memory_space<hbm>>
      %dma_start3A_441 = tpu.memref_squeeze %dma_start3A_440 : memref<1x200x64xf32, #tpu.memory_space<hbm>> -> memref<200x64xf32, #tpu.memory_space<hbm>>
      %dma_start3A_442 = arith.constant 0 : i32
      %dma_start3A_443 = arith.constant 0 : i32
      %dma_start3A_444 = tpu.memref_slice %arg6[%add3A_437, %dma_start3A_442, %dma_start3A_443] : memref<4096x200x128xf32, #tpu.memory_space<hbm>> -> memref<1x200x64xf32, #tpu.memory_space<hbm>>
      %dma_start3A_445 = tpu.memref_squeeze %dma_start3A_444 : memref<1x200x64xf32, #tpu.memory_space<hbm>> -> memref<200x64xf32, #tpu.memory_space<hbm>>
      tpu.enqueue_dma source(%arg10 : memref<200x64xf32, #tpu.memory_space<vmem>>) target(%dma_start3A_445 : memref<200x64xf32, #tpu.memory_space<hbm>>) target_semaphore(%arg34 : memref<!tpu.dma_semaphore, #tpu.memory_space<semaphore_mem>>)
      %mul3A_446 = arith.constant 4 : i32
      %mul3A_447 = arith.muli %add3A_221, %mul3A_446 : i32
      %add3A_448 = arith.constant 3 : i32
      %add3A_449 = arith.addi %mul3A_447, %add3A_448 : i32
      %add3A_450 = arith.constant 2 : i32
      %add3A_451 = arith.addi %add3A_449, %add3A_450 : i32
      %lt3A_452 = arith.constant 128 : i32
      %lt3A_453 = arith.cmpi slt, %add3A_451, %lt3A_452 : i32
      %convert_element_type3A_454 = arith.extui %lt3A_453 : i1 to i32
      %cond3A_455 = arith.constant 0 : i32
      %cond3A_456 = arith.cmpi ne, %convert_element_type3A_454, %cond3A_455 : i32
      scf.if %cond3A_456 {
        %add3A_521 = arith.constant 2 : i32
        %add3A_522 = arith.addi %add3A_449, %add3A_521 : i32
        %add3A_523 = arith.addi %mul3A_2, %add3A_522 : i32
        %dma_wait3A_524 = arith.constant 0 : i32
        %dma_wait3A_525 = tpu.memref_slice %arg4[%add3A_523, %dma_wait3A_524] : memref<4096x200xi32, #tpu.memory_space<hbm>> -> memref<1x200xi32, #tpu.memory_space<hbm>>
        %dma_wait3A_526 = tpu.memref_squeeze %dma_wait3A_525 : memref<1x200xi32, #tpu.memory_space<hbm>> -> memref<200xi32, #tpu.memory_space<hbm>>
        %dma_wait3A_527 = arith.constant 0 : i32
        %dma_wait3A_528 = tpu.memref_slice %arg4[%add3A_523, %dma_wait3A_527] : memref<4096x200xi32, #tpu.memory_space<hbm>> -> memref<1x200xi32, #tpu.memory_space<hbm>>
        %dma_wait3A_529 = tpu.memref_squeeze %dma_wait3A_528 : memref<1x200xi32, #tpu.memory_space<hbm>> -> memref<200xi32, #tpu.memory_space<hbm>>
        tpu.wait_dma2 semaphore(%arg37 : memref<!tpu.dma_semaphore, #tpu.memory_space<semaphore_mem>>) src(%dma_wait3A_529 : memref<200xi32, #tpu.memory_space<hbm>>) dst(%arg17 : memref<200xi32, #tpu.memory_space<vmem>>)
        %dma_wait3A_530 = arith.constant 0 : i32
        %dma_wait3A_531 = tpu.memref_slice %arg5[%add3A_523, %dma_wait3A_530] : memref<4096x200xi32, #tpu.memory_space<hbm>> -> memref<1x200xi32, #tpu.memory_space<hbm>>
        %dma_wait3A_532 = tpu.memref_squeeze %dma_wait3A_531 : memref<1x200xi32, #tpu.memory_space<hbm>> -> memref<200xi32, #tpu.memory_space<hbm>>
        %dma_wait3A_533 = arith.constant 0 : i32
        %dma_wait3A_534 = tpu.memref_slice %arg5[%add3A_523, %dma_wait3A_533] : memref<4096x200xi32, #tpu.memory_space<hbm>> -> memref<1x200xi32, #tpu.memory_space<hbm>>
        %dma_wait3A_535 = tpu.memref_squeeze %dma_wait3A_534 : memref<1x200xi32, #tpu.memory_space<hbm>> -> memref<200xi32, #tpu.memory_space<hbm>>
        tpu.wait_dma2 semaphore(%arg37 : memref<!tpu.dma_semaphore, #tpu.memory_space<semaphore_mem>>) src(%dma_wait3A_535 : memref<200xi32, #tpu.memory_space<hbm>>) dst(%arg21 : memref<200xi32, #tpu.memory_space<vmem>>)
        %ge3A = arith.constant 2 : i32
        %ge3A_536 = arith.cmpi sge, %add3A_449, %ge3A : i32
        %convert_element_type3A_537 = arith.extui %ge3A_536 : i1 to i32
        %cond3A_538 = arith.constant 0 : i32
        %cond3A_539 = arith.cmpi ne, %convert_element_type3A_537, %cond3A_538 : i32
        scf.if %cond3A_539 {
          %sub3A = arith.constant 2 : i32
          %sub3A_583 = arith.subi %add3A_449, %sub3A : i32
          %add3A_584 = arith.addi %mul3A_2, %sub3A_583 : i32
          %dma_wait3A_585 = arith.constant 0 : i32
          %dma_wait3A_586 = arith.constant 0 : i32
          %dma_wait3A_587 = tpu.memref_slice %arg6[%add3A_584, %dma_wait3A_585, %dma_wait3A_586] : memref<4096x200x128xf32, #tpu.memory_space<hbm>> -> memref<1x200x64xf32, #tpu.memory_space<hbm>>
          %dma_wait3A_588 = tpu.memref_squeeze %dma_wait3A_587 : memref<1x200x64xf32, #tpu.memory_space<hbm>> -> memref<200x64xf32, #tpu.memory_space<hbm>>
          %dma_wait3A_589 = arith.constant 0 : i32
          %dma_wait3A_590 = arith.constant 0 : i32
          %dma_wait3A_591 = tpu.memref_slice %arg6[%add3A_584, %dma_wait3A_589, %dma_wait3A_590] : memref<4096x200x128xf32, #tpu.memory_space<hbm>> -> memref<1x200x64xf32, #tpu.memory_space<hbm>>
          %dma_wait3A_592 = tpu.memref_squeeze %dma_wait3A_591 : memref<1x200x64xf32, #tpu.memory_space<hbm>> -> memref<200x64xf32, #tpu.memory_space<hbm>>
          tpu.wait_dma2 semaphore(%arg33 : memref<!tpu.dma_semaphore, #tpu.memory_space<semaphore_mem>>) src(%arg9 : memref<200x64xf32, #tpu.memory_space<vmem>>) dst(%dma_wait3A_592 : memref<200x64xf32, #tpu.memory_space<hbm>>)
        } else {
        }
        %dma_start3A_540 = arith.constant 0 : i32
        %dma_start3A_541 = arith.constant 0 : i32
        %dma_start3A_542 = tpu.memref_slice %arg9[%dma_start3A_540, %dma_start3A_541] : memref<200x64xf32, #tpu.memory_space<vmem>> -> memref<40x64xf32, #tpu.memory_space<vmem>>
        %dma_start3A_543 = arith.constant 0 : i32
        %dma_start3A_544 = tpu.memref_slice %arg17[%dma_start3A_543] : memref<200xi32, #tpu.memory_space<vmem>> -> memref<40xi32, #tpu.memory_space<vmem>>
        %dma_start3A_545 = arith.constant 0 : i32
        %dma_start3A_546 = arith.constant 0 : i32
        %dma_start3A_547 = tpu.memref_slice %arg2[%dma_start3A_545, %dma_start3A_546] : memref<1000000x64xf32, #tpu.memory_space<hbm>> -> memref<1000000x64xf32, #tpu.memory_space<hbm>>
        tpu.enqueue_indirect_dma source(%dma_start3A_547 : memref<1000000x64xf32, #tpu.memory_space<hbm>>) target(%dma_start3A_542 : memref<40x64xf32, #tpu.memory_space<vmem>>) offsets(%dma_start3A_544 : memref<40xi32, #tpu.memory_space<vmem>>) semaphore(%arg25 : memref<!tpu.dma_semaphore, #tpu.memory_space<semaphore_mem>>)
        %dma_start3A_548 = arith.constant 40 : i32
        %dma_start3A_549 = arith.constant 0 : i32
        %dma_start3A_550 = tpu.memref_slice %arg9[%dma_start3A_548, %dma_start3A_549] : memref<200x64xf32, #tpu.memory_space<vmem>> -> memref<40x64xf32, #tpu.memory_space<vmem>>
        %dma_start3A_551 = arith.constant 40 : i32
        %dma_start3A_552 = tpu.memref_slice %arg17[%dma_start3A_551] : memref<200xi32, #tpu.memory_space<vmem>> -> memref<40xi32, #tpu.memory_space<vmem>>
        %dma_start3A_553 = arith.constant 0 : i32
        %dma_start3A_554 = arith.constant 0 : i32
        %dma_start3A_555 = tpu.memref_slice %arg2[%dma_start3A_553, %dma_start3A_554] : memref<1000000x64xf32, #tpu.memory_space<hbm>> -> memref<1000000x64xf32, #tpu.memory_space<hbm>>
        tpu.enqueue_indirect_dma source(%dma_start3A_555 : memref<1000000x64xf32, #tpu.memory_space<hbm>>) target(%dma_start3A_550 : memref<40x64xf32, #tpu.memory_space<vmem>>) offsets(%dma_start3A_552 : memref<40xi32, #tpu.memory_space<vmem>>) semaphore(%arg25 : memref<!tpu.dma_semaphore, #tpu.memory_space<semaphore_mem>>)
        %dma_start3A_556 = arith.constant 80 : i32
        %dma_start3A_557 = arith.constant 0 : i32
        %dma_start3A_558 = tpu.memref_slice %arg9[%dma_start3A_556, %dma_start3A_557] : memref<200x64xf32, #tpu.memory_space<vmem>> -> memref<40x64xf32, #tpu.memory_space<vmem>>
        %dma_start3A_559 = arith.constant 80 : i32
        %dma_start3A_560 = tpu.memref_slice %arg17[%dma_start3A_559] : memref<200xi32, #tpu.memory_space<vmem>> -> memref<40xi32, #tpu.memory_space<vmem>>
        %dma_start3A_561 = arith.constant 0 : i32
        %dma_start3A_562 = arith.constant 0 : i32
        %dma_start3A_563 = tpu.memref_slice %arg2[%dma_start3A_561, %dma_start3A_562] : memref<1000000x64xf32, #tpu.memory_space<hbm>> -> memref<1000000x64xf32, #tpu.memory_space<hbm>>
        tpu.enqueue_indirect_dma source(%dma_start3A_563 : memref<1000000x64xf32, #tpu.memory_space<hbm>>) target(%dma_start3A_558 : memref<40x64xf32, #tpu.memory_space<vmem>>) offsets(%dma_start3A_560 : memref<40xi32, #tpu.memory_space<vmem>>) semaphore(%arg25 : memref<!tpu.dma_semaphore, #tpu.memory_space<semaphore_mem>>)
        %dma_start3A_564 = arith.constant 120 : i32
        %dma_start3A_565 = arith.constant 0 : i32
        %dma_start3A_566 = tpu.memref_slice %arg9[%dma_start3A_564, %dma_start3A_565] : memref<200x64xf32, #tpu.memory_space<vmem>> -> memref<40x64xf32, #tpu.memory_space<vmem>>
        %dma_start3A_567 = arith.constant 120 : i32
        %dma_start3A_568 = tpu.memref_slice %arg17[%dma_start3A_567] : memref<200xi32, #tpu.memory_space<vmem>> -> memref<40xi32, #tpu.memory_space<vmem>>
        %dma_start3A_569 = arith.constant 0 : i32
        %dma_start3A_570 = arith.constant 0 : i32
        %dma_start3A_571 = tpu.memref_slice %arg2[%dma_start3A_569, %dma_start3A_570] : memref<1000000x64xf32, #tpu.memory_space<hbm>> -> memref<1000000x64xf32, #tpu.memory_space<hbm>>
        tpu.enqueue_indirect_dma source(%dma_start3A_571 : memref<1000000x64xf32, #tpu.memory_space<hbm>>) target(%dma_start3A_566 : memref<40x64xf32, #tpu.memory_space<vmem>>) offsets(%dma_start3A_568 : memref<40xi32, #tpu.memory_space<vmem>>) semaphore(%arg25 : memref<!tpu.dma_semaphore, #tpu.memory_space<semaphore_mem>>)
        %dma_start3A_572 = arith.constant 160 : i32
        %dma_start3A_573 = arith.constant 0 : i32
        %dma_start3A_574 = tpu.memref_slice %arg9[%dma_start3A_572, %dma_start3A_573] : memref<200x64xf32, #tpu.memory_space<vmem>> -> memref<40x64xf32, #tpu.memory_space<vmem>>
        %dma_start3A_575 = arith.constant 160 : i32
        %dma_start3A_576 = tpu.memref_slice %arg17[%dma_start3A_575] : memref<200xi32, #tpu.memory_space<vmem>> -> memref<40xi32, #tpu.memory_space<vmem>>
        %dma_start3A_577 = arith.constant 0 : i32
        %dma_start3A_578 = arith.constant 0 : i32
        %dma_start3A_579 = tpu.memref_slice %arg2[%dma_start3A_577, %dma_start3A_578] : memref<1000000x64xf32, #tpu.memory_space<hbm>> -> memref<1000000x64xf32, #tpu.memory_space<hbm>>
        tpu.enqueue_indirect_dma source(%dma_start3A_579 : memref<1000000x64xf32, #tpu.memory_space<hbm>>) target(%dma_start3A_574 : memref<40x64xf32, #tpu.memory_space<vmem>>) offsets(%dma_start3A_576 : memref<40xi32, #tpu.memory_space<vmem>>) semaphore(%arg25 : memref<!tpu.dma_semaphore, #tpu.memory_space<semaphore_mem>>)
        %dma_start3A_580 = arith.constant 0 : i32
        %dma_start3A_581 = arith.constant 0 : i32
        %dma_start3A_582 = tpu.memref_slice %arg7[%dma_start3A_580, %dma_start3A_581] : memref<200x64xf32, #tpu.memory_space<vmem_shared>> -> memref<200x64xf32, #tpu.memory_space<vmem_shared>>
        tpu.enqueue_indirect_dma source(%dma_start3A_582 : memref<200x64xf32, #tpu.memory_space<vmem_shared>>) target(%arg13 : memref<200x64xf32, #tpu.memory_space<vmem>>) offsets(%arg21 : memref<200xi32, #tpu.memory_space<vmem>>) semaphore(%arg29 : memref<!tpu.dma_semaphore, #tpu.memory_space<semaphore_mem>>)
      } else {
      }
      %dma_wait3A_457 = arith.constant 0 : i32
      %dma_wait3A_458 = arith.constant 0 : i32
      %dma_wait3A_459 = tpu.memref_slice %arg11[%dma_wait3A_457, %dma_wait3A_458] : memref<200x64xf32, #tpu.memory_space<vmem>> -> memref<40x64xf32, #tpu.memory_space<vmem>>
      %dma_wait3A_460 = arith.constant 0 : i32
      %dma_wait3A_461 = tpu.memref_slice %arg19[%dma_wait3A_460] : memref<200xi32, #tpu.memory_space<vmem>> -> memref<40xi32, #tpu.memory_space<vmem>>
      %dma_wait3A_462 = arith.constant 0 : i32
      %dma_wait3A_463 = arith.constant 0 : i32
      %dma_wait3A_464 = tpu.memref_slice %arg2[%dma_wait3A_462, %dma_wait3A_463] : memref<1000000x64xf32, #tpu.memory_space<hbm>> -> memref<1000000x64xf32, #tpu.memory_space<hbm>>
      tpu.wait_indirect_dma semaphore(%arg27 : memref<!tpu.dma_semaphore, #tpu.memory_space<semaphore_mem>>) src(%dma_wait3A_464 : memref<1000000x64xf32, #tpu.memory_space<hbm>>) dst(%dma_wait3A_459 : memref<40x64xf32, #tpu.memory_space<vmem>>)
      %dma_wait3A_465 = arith.constant 40 : i32
      %dma_wait3A_466 = arith.constant 0 : i32
      %dma_wait3A_467 = tpu.memref_slice %arg11[%dma_wait3A_465, %dma_wait3A_466] : memref<200x64xf32, #tpu.memory_space<vmem>> -> memref<40x64xf32, #tpu.memory_space<vmem>>
      %dma_wait3A_468 = arith.constant 40 : i32
      %dma_wait3A_469 = tpu.memref_slice %arg19[%dma_wait3A_468] : memref<200xi32, #tpu.memory_space<vmem>> -> memref<40xi32, #tpu.memory_space<vmem>>
      %dma_wait3A_470 = arith.constant 0 : i32
      %dma_wait3A_471 = arith.constant 0 : i32
      %dma_wait3A_472 = tpu.memref_slice %arg2[%dma_wait3A_470, %dma_wait3A_471] : memref<1000000x64xf32, #tpu.memory_space<hbm>> -> memref<1000000x64xf32, #tpu.memory_space<hbm>>
      tpu.wait_indirect_dma semaphore(%arg27 : memref<!tpu.dma_semaphore, #tpu.memory_space<semaphore_mem>>) src(%dma_wait3A_472 : memref<1000000x64xf32, #tpu.memory_space<hbm>>) dst(%dma_wait3A_467 : memref<40x64xf32, #tpu.memory_space<vmem>>)
      %dma_wait3A_473 = arith.constant 80 : i32
      %dma_wait3A_474 = arith.constant 0 : i32
      %dma_wait3A_475 = tpu.memref_slice %arg11[%dma_wait3A_473, %dma_wait3A_474] : memref<200x64xf32, #tpu.memory_space<vmem>> -> memref<40x64xf32, #tpu.memory_space<vmem>>
      %dma_wait3A_476 = arith.constant 80 : i32
      %dma_wait3A_477 = tpu.memref_slice %arg19[%dma_wait3A_476] : memref<200xi32, #tpu.memory_space<vmem>> -> memref<40xi32, #tpu.memory_space<vmem>>
      %dma_wait3A_478 = arith.constant 0 : i32
      %dma_wait3A_479 = arith.constant 0 : i32
      %dma_wait3A_480 = tpu.memref_slice %arg2[%dma_wait3A_478, %dma_wait3A_479] : memref<1000000x64xf32, #tpu.memory_space<hbm>> -> memref<1000000x64xf32, #tpu.memory_space<hbm>>
      tpu.wait_indirect_dma semaphore(%arg27 : memref<!tpu.dma_semaphore, #tpu.memory_space<semaphore_mem>>) src(%dma_wait3A_480 : memref<1000000x64xf32, #tpu.memory_space<hbm>>) dst(%dma_wait3A_475 : memref<40x64xf32, #tpu.memory_space<vmem>>)
      %dma_wait3A_481 = arith.constant 120 : i32
      %dma_wait3A_482 = arith.constant 0 : i32
      %dma_wait3A_483 = tpu.memref_slice %arg11[%dma_wait3A_481, %dma_wait3A_482] : memref<200x64xf32, #tpu.memory_space<vmem>> -> memref<40x64xf32, #tpu.memory_space<vmem>>
      %dma_wait3A_484 = arith.constant 120 : i32
      %dma_wait3A_485 = tpu.memref_slice %arg19[%dma_wait3A_484] : memref<200xi32, #tpu.memory_space<vmem>> -> memref<40xi32, #tpu.memory_space<vmem>>
      %dma_wait3A_486 = arith.constant 0 : i32
      %dma_wait3A_487 = arith.constant 0 : i32
      %dma_wait3A_488 = tpu.memref_slice %arg2[%dma_wait3A_486, %dma_wait3A_487] : memref<1000000x64xf32, #tpu.memory_space<hbm>> -> memref<1000000x64xf32, #tpu.memory_space<hbm>>
      tpu.wait_indirect_dma semaphore(%arg27 : memref<!tpu.dma_semaphore, #tpu.memory_space<semaphore_mem>>) src(%dma_wait3A_488 : memref<1000000x64xf32, #tpu.memory_space<hbm>>) dst(%dma_wait3A_483 : memref<40x64xf32, #tpu.memory_space<vmem>>)
      %dma_wait3A_489 = arith.constant 160 : i32
      %dma_wait3A_490 = arith.constant 0 : i32
      %dma_wait3A_491 = tpu.memref_slice %arg11[%dma_wait3A_489, %dma_wait3A_490] : memref<200x64xf32, #tpu.memory_space<vmem>> -> memref<40x64xf32, #tpu.memory_space<vmem>>
      %dma_wait3A_492 = arith.constant 160 : i32
      %dma_wait3A_493 = tpu.memref_slice %arg19[%dma_wait3A_492] : memref<200xi32, #tpu.memory_space<vmem>> -> memref<40xi32, #tpu.memory_space<vmem>>
      %dma_wait3A_494 = arith.constant 0 : i32
      %dma_wait3A_495 = arith.constant 0 : i32
      %dma_wait3A_496 = tpu.memref_slice %arg2[%dma_wait3A_494, %dma_wait3A_495] : memref<1000000x64xf32, #tpu.memory_space<hbm>> -> memref<1000000x64xf32, #tpu.memory_space<hbm>>
      tpu.wait_indirect_dma semaphore(%arg27 : memref<!tpu.dma_semaphore, #tpu.memory_space<semaphore_mem>>) src(%dma_wait3A_496 : memref<1000000x64xf32, #tpu.memory_space<hbm>>) dst(%dma_wait3A_491 : memref<40x64xf32, #tpu.memory_space<vmem>>)
      %dma_wait3A_497 = arith.constant 0 : i32
      %dma_wait3A_498 = arith.constant 0 : i32
      %dma_wait3A_499 = tpu.memref_slice %arg7[%dma_wait3A_497, %dma_wait3A_498] : memref<200x64xf32, #tpu.memory_space<vmem_shared>> -> memref<200x64xf32, #tpu.memory_space<vmem_shared>>
      tpu.wait_indirect_dma semaphore(%arg31 : memref<!tpu.dma_semaphore, #tpu.memory_space<semaphore_mem>>) src(%dma_wait3A_499 : memref<200x64xf32, #tpu.memory_space<vmem_shared>>) dst(%arg15 : memref<200x64xf32, #tpu.memory_space<vmem>>)
      %add3A_500 = arith.constant 4 : i32
      %add3A_501 = arith.addi %add3A_449, %add3A_500 : i32
      %lt3A_502 = arith.constant 128 : i32
      %lt3A_503 = arith.cmpi slt, %add3A_501, %lt3A_502 : i32
      %convert_element_type3A_504 = arith.extui %lt3A_503 : i1 to i32
      %cond3A_505 = arith.constant 0 : i32
      %cond3A_506 = arith.cmpi ne, %convert_element_type3A_504, %cond3A_505 : i32
      scf.if %cond3A_506 {
        %add3A_521 = arith.constant 4 : i32
        %add3A_522 = arith.addi %add3A_449, %add3A_521 : i32
        %add3A_523 = arith.addi %mul3A_2, %add3A_522 : i32
        %dma_start3A_524 = arith.constant 0 : i32
        %dma_start3A_525 = tpu.memref_slice %arg4[%add3A_523, %dma_start3A_524] : memref<4096x200xi32, #tpu.memory_space<hbm>> -> memref<1x200xi32, #tpu.memory_space<hbm>>
        %dma_start3A_526 = tpu.memref_squeeze %dma_start3A_525 : memref<1x200xi32, #tpu.memory_space<hbm>> -> memref<200xi32, #tpu.memory_space<hbm>>
        %dma_start3A_527 = arith.constant 0 : i32
        %dma_start3A_528 = tpu.memref_slice %arg4[%add3A_523, %dma_start3A_527] : memref<4096x200xi32, #tpu.memory_space<hbm>> -> memref<1x200xi32, #tpu.memory_space<hbm>>
        %dma_start3A_529 = tpu.memref_squeeze %dma_start3A_528 : memref<1x200xi32, #tpu.memory_space<hbm>> -> memref<200xi32, #tpu.memory_space<hbm>>
        tpu.enqueue_dma source(%dma_start3A_529 : memref<200xi32, #tpu.memory_space<hbm>>) target(%arg19 : memref<200xi32, #tpu.memory_space<vmem>>) target_semaphore(%arg39 : memref<!tpu.dma_semaphore, #tpu.memory_space<semaphore_mem>>)
        %dma_start3A_530 = arith.constant 0 : i32
        %dma_start3A_531 = tpu.memref_slice %arg5[%add3A_523, %dma_start3A_530] : memref<4096x200xi32, #tpu.memory_space<hbm>> -> memref<1x200xi32, #tpu.memory_space<hbm>>
        %dma_start3A_532 = tpu.memref_squeeze %dma_start3A_531 : memref<1x200xi32, #tpu.memory_space<hbm>> -> memref<200xi32, #tpu.memory_space<hbm>>
        %dma_start3A_533 = arith.constant 0 : i32
        %dma_start3A_534 = tpu.memref_slice %arg5[%add3A_523, %dma_start3A_533] : memref<4096x200xi32, #tpu.memory_space<hbm>> -> memref<1x200xi32, #tpu.memory_space<hbm>>
        %dma_start3A_535 = tpu.memref_squeeze %dma_start3A_534 : memref<1x200xi32, #tpu.memory_space<hbm>> -> memref<200xi32, #tpu.memory_space<hbm>>
        tpu.enqueue_dma source(%dma_start3A_535 : memref<200xi32, #tpu.memory_space<hbm>>) target(%arg23 : memref<200xi32, #tpu.memory_space<vmem>>) target_semaphore(%arg39 : memref<!tpu.dma_semaphore, #tpu.memory_space<semaphore_mem>>)
      } else {
      }
      %scan3A_507 = arith.constant 0 : i32
      %scan3A_508 = arith.constant 200 : i32
      %scan3A_509 = arith.addi %scan3A_507, %scan3A_508 : i32
      %scan3A_510 = arith.constant 1 : i32
      scf.for %scan3A_521 = %scan3A_507 to %scan3A_509 step %scan3A_510  : i32 {
        %mul3A_522 = arith.constant 1 : i32
        %mul3A_523 = arith.muli %scan3A_521, %mul3A_522 : i32
        %add3A_524 = arith.constant 0 : i32
        %add3A_525 = arith.addi %add3A_524, %mul3A_523 : i32
        %get3A = arith.index_cast %add3A_525 : i32 to index
        %get3A_526 = arith.constant 0 : index
        %get3A_527 = tpu.vector_load %arg11[%get3A, %get3A_526] {strides = array<i32>} : memref<200x64xf32, #tpu.memory_space<vmem>>, vector<1x16xf32>,
        %get3A_528 = vector.shape_cast %get3A_527 : vector<1x16xf32> to vector<16xf32>
        %get3A_529 = arith.index_cast %add3A_525 : i32 to index
        %get3A_530 = arith.constant 0 : index
        %get3A_531 = tpu.vector_load %arg15[%get3A_529, %get3A_530] {strides = array<i32>} : memref<200x64xf32, #tpu.memory_space<vmem>>, vector<1x16xf32>,
        %get3A_532 = vector.shape_cast %get3A_531 : vector<1x16xf32> to vector<16xf32>
        %add3A_533 = arith.addf %get3A_528, %get3A_532 : vector<16xf32>
        %swap3A = arith.index_cast %add3A_525 : i32 to index
        %swap3A_534 = arith.constant 0 : index
        %swap3A_535 = tpu.vector_load %arg11[%swap3A, %swap3A_534] {strides = array<i32>} : memref<200x64xf32, #tpu.memory_space<vmem>>, vector<1x16xf32>,
        %swap3A_536 = vector.shape_cast %swap3A_535 : vector<1x16xf32> to vector<16xf32>
        %swap3A_537 = vector.shape_cast %add3A_533 : vector<16xf32> to vector<1x16xf32>
        tpu.vector_store %arg11[%swap3A, %swap3A_534], %swap3A_537 {strides = array<i32>} : memref<200x64xf32, #tpu.memory_space<vmem>>, vector<1x16xf32>,
        %get3A_538 = arith.index_cast %add3A_525 : i32 to index
        %get3A_539 = arith.constant 16 : index
        %get3A_540 = tpu.vector_load %arg11[%get3A_538, %get3A_539] {strides = array<i32>} : memref<200x64xf32, #tpu.memory_space<vmem>>, vector<1x16xf32>,
        %get3A_541 = vector.shape_cast %get3A_540 : vector<1x16xf32> to vector<16xf32>
        %get3A_542 = arith.index_cast %add3A_525 : i32 to index
        %get3A_543 = arith.constant 16 : index
        %get3A_544 = tpu.vector_load %arg15[%get3A_542, %get3A_543] {strides = array<i32>} : memref<200x64xf32, #tpu.memory_space<vmem>>, vector<1x16xf32>,
        %get3A_545 = vector.shape_cast %get3A_544 : vector<1x16xf32> to vector<16xf32>
        %add3A_546 = arith.addf %get3A_541, %get3A_545 : vector<16xf32>
        %swap3A_547 = arith.index_cast %add3A_525 : i32 to index
        %swap3A_548 = arith.constant 16 : index
        %swap3A_549 = tpu.vector_load %arg11[%swap3A_547, %swap3A_548] {strides = array<i32>} : memref<200x64xf32, #tpu.memory_space<vmem>>, vector<1x16xf32>,
        %swap3A_550 = vector.shape_cast %swap3A_549 : vector<1x16xf32> to vector<16xf32>
        %swap3A_551 = vector.shape_cast %add3A_546 : vector<16xf32> to vector<1x16xf32>
        tpu.vector_store %arg11[%swap3A_547, %swap3A_548], %swap3A_551 {strides = array<i32>} : memref<200x64xf32, #tpu.memory_space<vmem>>, vector<1x16xf32>,
        %get3A_552 = arith.index_cast %add3A_525 : i32 to index
        %get3A_553 = arith.constant 32 : index
        %get3A_554 = tpu.vector_load %arg11[%get3A_552, %get3A_553] {strides = array<i32>} : memref<200x64xf32, #tpu.memory_space<vmem>>, vector<1x16xf32>,
        %get3A_555 = vector.shape_cast %get3A_554 : vector<1x16xf32> to vector<16xf32>
        %get3A_556 = arith.index_cast %add3A_525 : i32 to index
        %get3A_557 = arith.constant 32 : index
        %get3A_558 = tpu.vector_load %arg15[%get3A_556, %get3A_557] {strides = array<i32>} : memref<200x64xf32, #tpu.memory_space<vmem>>, vector<1x16xf32>,
        %get3A_559 = vector.shape_cast %get3A_558 : vector<1x16xf32> to vector<16xf32>
        %add3A_560 = arith.addf %get3A_555, %get3A_559 : vector<16xf32>
        %swap3A_561 = arith.index_cast %add3A_525 : i32 to index
        %swap3A_562 = arith.constant 32 : index
        %swap3A_563 = tpu.vector_load %arg11[%swap3A_561, %swap3A_562] {strides = array<i32>} : memref<200x64xf32, #tpu.memory_space<vmem>>, vector<1x16xf32>,
        %swap3A_564 = vector.shape_cast %swap3A_563 : vector<1x16xf32> to vector<16xf32>
        %swap3A_565 = vector.shape_cast %add3A_560 : vector<16xf32> to vector<1x16xf32>
        tpu.vector_store %arg11[%swap3A_561, %swap3A_562], %swap3A_565 {strides = array<i32>} : memref<200x64xf32, #tpu.memory_space<vmem>>, vector<1x16xf32>,
        %get3A_566 = arith.index_cast %add3A_525 : i32 to index
        %get3A_567 = arith.constant 48 : index
        %get3A_568 = tpu.vector_load %arg11[%get3A_566, %get3A_567] {strides = array<i32>} : memref<200x64xf32, #tpu.memory_space<vmem>>, vector<1x16xf32>,
        %get3A_569 = vector.shape_cast %get3A_568 : vector<1x16xf32> to vector<16xf32>
        %get3A_570 = arith.index_cast %add3A_525 : i32 to index
        %get3A_571 = arith.constant 48 : index
        %get3A_572 = tpu.vector_load %arg15[%get3A_570, %get3A_571] {strides = array<i32>} : memref<200x64xf32, #tpu.memory_space<vmem>>, vector<1x16xf32>,
        %get3A_573 = vector.shape_cast %get3A_572 : vector<1x16xf32> to vector<16xf32>
        %add3A_574 = arith.addf %get3A_569, %get3A_573 : vector<16xf32>
        %swap3A_575 = arith.index_cast %add3A_525 : i32 to index
        %swap3A_576 = arith.constant 48 : index
        %swap3A_577 = tpu.vector_load %arg11[%swap3A_575, %swap3A_576] {strides = array<i32>} : memref<200x64xf32, #tpu.memory_space<vmem>>, vector<1x16xf32>,
        %swap3A_578 = vector.shape_cast %swap3A_577 : vector<1x16xf32> to vector<16xf32>
        %swap3A_579 = vector.shape_cast %add3A_574 : vector<16xf32> to vector<1x16xf32>
        tpu.vector_store %arg11[%swap3A_575, %swap3A_576], %swap3A_579 {strides = array<i32>} : memref<200x64xf32, #tpu.memory_space<vmem>>, vector<1x16xf32>,
      }
      %scan3A_511 = arith.constant 200 : i32
      %add3A_512 = arith.addi %mul3A_2, %add3A_449 : i32
      %dma_start3A_513 = arith.constant 0 : i32
      %dma_start3A_514 = arith.constant 0 : i32
      %dma_start3A_515 = tpu.memref_slice %arg6[%add3A_512, %dma_start3A_513, %dma_start3A_514] : memref<4096x200x128xf32, #tpu.memory_space<hbm>> -> memref<1x200x64xf32, #tpu.memory_space<hbm>>
      %dma_start3A_516 = tpu.memref_squeeze %dma_start3A_515 : memref<1x200x64xf32, #tpu.memory_space<hbm>> -> memref<200x64xf32, #tpu.memory_space<hbm>>
      %dma_start3A_517 = arith.constant 0 : i32
      %dma_start3A_518 = arith.constant 0 : i32
      %dma_start3A_519 = tpu.memref_slice %arg6[%add3A_512, %dma_start3A_517, %dma_start3A_518] : memref<4096x200x128xf32, #tpu.memory_space<hbm>> -> memref<1x200x64xf32, #tpu.memory_space<hbm>>
      %dma_start3A_520 = tpu.memref_squeeze %dma_start3A_519 : memref<1x200x64xf32, #tpu.memory_space<hbm>> -> memref<200x64xf32, #tpu.memory_space<hbm>>
      tpu.enqueue_dma source(%arg11 : memref<200x64xf32, #tpu.memory_space<vmem>>) target(%dma_start3A_520 : memref<200x64xf32, #tpu.memory_space<hbm>>) target_semaphore(%arg35 : memref<!tpu.dma_semaphore, #tpu.memory_space<semaphore_mem>>)
    }
    %scan3A_176 = arith.constant 32 : i32
    %add3A_177 = arith.constant 124 : i32
    %add3A_178 = arith.addi %mul3A_2, %add3A_177 : i32
    %dma_wait3A_179 = arith.constant 0 : i32
    %dma_wait3A_180 = arith.constant 0 : i32
    %dma_wait3A_181 = tpu.memref_slice %arg6[%add3A_178, %dma_wait3A_179, %dma_wait3A_180] : memref<4096x200x128xf32, #tpu.memory_space<hbm>> -> memref<1x200x64xf32, #tpu.memory_space<hbm>>
    %dma_wait3A_182 = tpu.memref_squeeze %dma_wait3A_181 : memref<1x200x64xf32, #tpu.memory_space<hbm>> -> memref<200x64xf32, #tpu.memory_space<hbm>>
    %dma_wait3A_183 = arith.constant 0 : i32
    %dma_wait3A_184 = arith.constant 0 : i32
    %dma_wait3A_185 = tpu.memref_slice %arg6[%add3A_178, %dma_wait3A_183, %dma_wait3A_184] : memref<4096x200x128xf32, #tpu.memory_space<hbm>> -> memref<1x200x64xf32, #tpu.memory_space<hbm>>
    %dma_wait3A_186 = tpu.memref_squeeze %dma_wait3A_185 : memref<1x200x64xf32, #tpu.memory_space<hbm>> -> memref<200x64xf32, #tpu.memory_space<hbm>>
    tpu.wait_dma2 semaphore(%arg32 : memref<!tpu.dma_semaphore, #tpu.memory_space<semaphore_mem>>) src(%arg8 : memref<200x64xf32, #tpu.memory_space<vmem>>) dst(%dma_wait3A_186 : memref<200x64xf32, #tpu.memory_space<hbm>>)
    %add3A_187 = arith.constant 125 : i32
    %add3A_188 = arith.addi %mul3A_2, %add3A_187 : i32
    %dma_wait3A_189 = arith.constant 0 : i32
    %dma_wait3A_190 = arith.constant 0 : i32
    %dma_wait3A_191 = tpu.memref_slice %arg6[%add3A_188, %dma_wait3A_189, %dma_wait3A_190] : memref<4096x200x128xf32, #tpu.memory_space<hbm>> -> memref<1x200x64xf32, #tpu.memory_space<hbm>>
    %dma_wait3A_192 = tpu.memref_squeeze %dma_wait3A_191 : memref<1x200x64xf32, #tpu.memory_space<hbm>> -> memref<200x64xf32, #tpu.memory_space<hbm>>
    %dma_wait3A_193 = arith.constant 0 : i32
    %dma_wait3A_194 = arith.constant 0 : i32
    %dma_wait3A_195 = tpu.memref_slice %arg6[%add3A_188, %dma_wait3A_193, %dma_wait3A_194] : memref<4096x200x128xf32, #tpu.memory_space<hbm>> -> memref<1x200x64xf32, #tpu.memory_space<hbm>>
    %dma_wait3A_196 = tpu.memref_squeeze %dma_wait3A_195 : memref<1x200x64xf32, #tpu.memory_space<hbm>> -> memref<200x64xf32, #tpu.memory_space<hbm>>
    tpu.wait_dma2 semaphore(%arg33 : memref<!tpu.dma_semaphore, #tpu.memory_space<semaphore_mem>>) src(%arg9 : memref<200x64xf32, #tpu.memory_space<vmem>>) dst(%dma_wait3A_196 : memref<200x64xf32, #tpu.memory_space<hbm>>)
    %add3A_197 = arith.constant 126 : i32
    %add3A_198 = arith.addi %mul3A_2, %add3A_197 : i32
    %dma_wait3A_199 = arith.constant 0 : i32
    %dma_wait3A_200 = arith.constant 0 : i32
    %dma_wait3A_201 = tpu.memref_slice %arg6[%add3A_198, %dma_wait3A_199, %dma_wait3A_200] : memref<4096x200x128xf32, #tpu.memory_space<hbm>> -> memref<1x200x64xf32, #tpu.memory_space<hbm>>
    %dma_wait3A_202 = tpu.memref_squeeze %dma_wait3A_201 : memref<1x200x64xf32, #tpu.memory_space<hbm>> -> memref<200x64xf32, #tpu.memory_space<hbm>>
    %dma_wait3A_203 = arith.constant 0 : i32
    %dma_wait3A_204 = arith.constant 0 : i32
    %dma_wait3A_205 = tpu.memref_slice %arg6[%add3A_198, %dma_wait3A_203, %dma_wait3A_204] : memref<4096x200x128xf32, #tpu.memory_space<hbm>> -> memref<1x200x64xf32, #tpu.memory_space<hbm>>
    %dma_wait3A_206 = tpu.memref_squeeze %dma_wait3A_205 : memref<1x200x64xf32, #tpu.memory_space<hbm>> -> memref<200x64xf32, #tpu.memory_space<hbm>>
    tpu.wait_dma2 semaphore(%arg34 : memref<!tpu.dma_semaphore, #tpu.memory_space<semaphore_mem>>) src(%arg10 : memref<200x64xf32, #tpu.memory_space<vmem>>) dst(%dma_wait3A_206 : memref<200x64xf32, #tpu.memory_space<hbm>>)
    %add3A_207 = arith.constant 127 : i32
    %add3A_208 = arith.addi %mul3A_2, %add3A_207 : i32
    %dma_wait3A_209 = arith.constant 0 : i32
    %dma_wait3A_210 = arith.constant 0 : i32
    %dma_wait3A_211 = tpu.memref_slice %arg6[%add3A_208, %dma_wait3A_209, %dma_wait3A_210] : memref<4096x200x128xf32, #tpu.memory_space<hbm>> -> memref<1x200x64xf32, #tpu.memory_space<hbm>>
    %dma_wait3A_212 = tpu.memref_squeeze %dma_wait3A_211 : memref<1x200x64xf32, #tpu.memory_space<hbm>> -> memref<200x64xf32, #tpu.memory_space<hbm>>
    %dma_wait3A_213 = arith.constant 0 : i32
    %dma_wait3A_214 = arith.constant 0 : i32
    %dma_wait3A_215 = tpu.memref_slice %arg6[%add3A_208, %dma_wait3A_213, %dma_wait3A_214] : memref<4096x200x128xf32, #tpu.memory_space<hbm>> -> memref<1x200x64xf32, #tpu.memory_space<hbm>>
    %dma_wait3A_216 = tpu.memref_squeeze %dma_wait3A_215 : memref<1x200x64xf32, #tpu.memory_space<hbm>> -> memref<200x64xf32, #tpu.memory_space<hbm>>
    tpu.wait_dma2 semaphore(%arg35 : memref<!tpu.dma_semaphore, #tpu.memory_space<semaphore_mem>>) src(%arg11 : memref<200x64xf32, #tpu.memory_space<vmem>>) dst(%dma_wait3A_216 : memref<200x64xf32, #tpu.memory_space<hbm>>)
    return
  }
}

</mosaic_0001>

<sc_bundles>
// kernel: kernel.3.cloned.1.call-start
scs
__scs_entry_jumppad:
0x0: {  	(pc) =	sbr.rel $0x88, $3  }
0x1: {  	(tag) =	ssettag $0x0;
	lr =	simm.s32 $0x1  }
0x2: {  	[smem:$0x3F9D] =	sst lr;
	_ =	strace $0xD0000000  }
0x3: {  	_ = 	snop  }
0x4: {  	_ = 	snop  }
0x5: {  	_ = 	snop  }
0x6: {  	_ = 	snop  }
0x7: {  	_ = 	snop  }
__scs_overlays_trampoline_lowered:
0x8: {  	[smem:$0x3FAC] =	sst s0  }
0x9: {  	[smem:$0x3FAD] =	sst s1  }
0xa: {  	[smem:$0x3FAE] =	sst s2  }
0xb: {  	[smem:$0x3FAF] =	sst s3  }
0xc: {  	[smem:$0x3FB0] =	sst s4  }
0xd: {  	[smem:$0x3FB1] =	sst s5  }
0xe: {  	[smem:$0x3FB2] =	sst s6  }
0xf: {  	[smem:$0x3FB3] =	sst s7  }
0x10: {  	[smem:$0x3FB4] =	sst s8  }
0x11: {  	[smem:$0x3FB5] =	sst s9;
	s0 =	simm.s32 @!p0 $0x0  }
0x12: {  	s1 =	sld [smem:$0x3F9B];
	s0 =	simm.s32 @p0 $0x1  }
0x13: {  	[smem:$0x3FB6] =	sst s0;
	s0 =	simm.s32 @!p1 $0x0  }
0x14: {  	s2 =	sld [smem:$0x3F9A];
	s0 =	simm.s32 @p1 $0x1  }
0x15: {  	[smem:$0x3FB7] =	sst s0;
	s0 =	simm.s32 @!p2 $0x0  }
0x16: {  	s3 =	sld [smem:$0x3FDB];
	s0 =	simm.s32 @p2 $0x1  }
0x17: {  	s4 =	simm.s32 $0x1BF5;
	[smem:$0x3FB9] =	sst s0  }
0x18: {  	s0 =	sld [smem:$0x3F9C];
	_ =	swait.ge [sflag:s4], $0x0  }
0x19: {  	s7 =	sld [smem:$0x3F9D]  }
0x1a: {  	s8 =	sadd.s32 $0xFFFFE003, lr  }
0x1b: {  	s9 =	sadd.s32 $0xFFFFFEF7, lr;
	s5 =	simm.s32 $0xFFFFFFFF;
	p2 =	slt.u32 s8, $0xFFFFF086  }
0x1c: {  	p1 =	slt.u32 s9, $0xF7A;
	s5 =	simm.s32 @!p2 $0x0  }
0x1d: {  	s5 =	simm.s32 @p1 $0x1;
	p0 =	seq.s32 s7, s2  }
0x1e: {  	s7 =	smul.u32 @!p0 $0xF7A, s2;
	p2 =	seq.s32 @!p0 s5, $0x0  }
0x1f: {  	s9 =	smul.u32 $0xF7A, s1;
	s8 =	simm.s32 @!p0 $0x1BF5;
	p2 =	por !p2, p0  }
0x20: {  	[sflag:s8] =	ssyncset.s32 @!p0 $0xFFFFF086;
	s6 =	sadd.s32 @!p0 s3, s7;
	s7 =	simm.s32 @!p0 $0x108  }
0x21: {  	s3 =	sadd.s32 s3, s9;
	s6 =	sadd.s32 @!p0 $0x88, s6;
	s7 =	simm.s32 @p2 $0x1082  }
0x22: {  	[simem:s7], [sflag:s8] =	dma.local @!p0 [hbm:s6], $0xF7A  }
0x23: {  	s9 =	sor.u32 $0xD0000000, s2;
	s6 =	simm.s32 $0x108;
	_ =	swait.ge @!p0 [sflag:s8], $0x0  }
0x24: {  	s3 =	sadd.s32 $0x88, s3;
	s6 =	simm.s32 @!p1 $0x1082;
	[sflag:s4] =	ssyncset.s32 $0xFFFFF086  }
0x25: {  	[simem:s6], [sflag:s4] =	dma.local [hbm:s3], $0xF7A  }
0x26: {  	[smem:$0x3F9D] =	sst s1;
	(tag) =	ssettag s2;
	_ =	strace s9  }
0x27: {  	s1 =	sld [smem:$0x3FAD]  }
0x28: {  	s2 =	sld [smem:$0x3FAE]  }
0x29: {  	s4 =	sld [smem:$0x3FB0]  }
0x2a: {  	p0 =	seq.s32 s5, $0x0;
	s5 =	sld [smem:$0x3FB1]  }
0x2b: {  	s6 =	sld [smem:$0x3FB2]  }
0x2c: {  	s7 =	sld [smem:$0x3FB3]  }
0x2d: {  	s3 =	simm.s32 $0x108;
	s8 =	sld [smem:$0x3FB4]  }
0x2e: {  	s3 =	simm.s32 @!p0 $0x1082;
	s9 =	sld [smem:$0x3FB5]  }
0x2f: {  	lr =	sadd.s32 s0, s3;
	s0 =	sld [smem:$0x3FAC]  }
0x30: {  	s3 =	sld [smem:$0x3FAF]  }
0x31: {  	[smem:$0x3FB8] =	sst s10  }
0x32: {  	s10 =	sld [smem:$0x3FB6];
	_ =	sdelay $0x3  }
0x33: {  	p0 =	seq.s32 s10, $0x1;
	s10 =	sld [smem:$0x3FB8];
	_ =	sdelay $0x3  }
0x34: {  	[smem:$0x3FB8] =	sst s10  }
0x35: {  	s10 =	sld [smem:$0x3FB7];
	_ =	sdelay $0x3  }
0x36: {  	p1 =	seq.s32 s10, $0x1;
	s10 =	sld [smem:$0x3FB8];
	_ =	sdelay $0x3  }
0x37: {  	[smem:$0x3FB8] =	sst s10  }
0x38: {  	s10 =	sld [smem:$0x3FB9]  }
0x39: {  	_ = 	snop;
	(pc) =	sbr.ind lr, $3  }
0x3a: {  	_ = 	snop  }
0x3b: {  	_ = 	snop  }
0x3c: {  	p2 =	seq.s32 s10, $0x1;
	s10 =	sld [smem:$0x3FB8]  }
0x3d: {  	_ =	shalt  }
0x3e: {  	_ =	shalt  }
0x3f: {  	_ =	shalt  }
0x40: {  	_ =	shalt  }
0x41: {  	_ =	shalt  }
0x42: {  	_ =	shalt  }
0x43: {  	_ =	shalt  }
0x44: {  	_ =	shalt  }
0x45: {  	_ =	shalt  }
0x46: {  	_ =	shalt  }
0x47: {  	_ =	shalt  }
0x48: {  	_ =	shalt  }
0x49: {  	_ =	shalt  }
0x4a: {  	_ =	shalt  }
0x4b: {  	_ =	shalt  }
0x4c: {  	_ =	shalt  }
0x4d: {  	_ =	shalt  }
0x4e: {  	_ =	shalt  }
0x4f: {  	_ =	shalt  }
0x50: {  	_ =	shalt  }
0x51: {  	_ =	shalt  }
0x52: {  	_ =	shalt  }
0x53: {  	_ =	shalt  }
0x54: {  	_ =	shalt  }
0x55: {  	_ =	shalt  }
0x56: {  	_ =	shalt  }
0x57: {  	_ =	shalt  }
0x58: {  	_ =	shalt  }
0x59: {  	_ =	shalt  }
0x5a: {  	_ =	shalt  }
0x5b: {  	_ =	shalt  }
0x5c: {  	_ =	shalt  }
0x5d: {  	_ =	shalt  }
0x5e: {  	_ =	shalt  }
0x5f: {  	_ =	shalt  }
0x60: {  	_ =	shalt  }
0x61: {  	_ =	shalt  }
0x62: {  	_ =	shalt  }
0x63: {  	_ =	shalt  }
0x64: {  	_ =	shalt  }
0x65: {  	_ =	shalt  }
0x66: {  	_ =	shalt  }
0x67: {  	_ =	shalt  }
0x68: {  	_ =	shalt  }
0x69: {  	_ =	shalt  }
0x6a: {  	_ =	shalt  }
0x6b: {  	_ =	shalt  }
0x6c: {  	_ =	shalt  }
0x6d: {  	_ =	shalt  }
0x6e: {  	_ =	shalt  }
0x6f: {  	_ =	shalt  }
0x70: {  	_ =	shalt  }
0x71: {  	_ =	shalt  }
0x72: {  	_ =	shalt  }
0x73: {  	_ =	shalt  }
0x74: {  	_ =	shalt  }
0x75: {  	_ =	shalt  }
0x76: {  	_ =	shalt  }
0x77: {  	_ =	shalt  }
0x78: {  	_ =	shalt  }
0x79: {  	_ =	shalt  }
0x7a: {  	_ =	shalt  }
0x7b: {  	_ =	shalt  }
0x7c: {  	_ =	shalt  }
0x7d: {  	_ =	shalt  }
0x7e: {  	_ =	shalt  }
0x7f: {  	_ =	shalt  }
0x80: {  	_ =	shalt  }
0x81: {  	_ =	shalt  }
0x82: {  	_ =	shalt  }
0x83: {  	_ =	shalt  }
0x84: {  	_ =	shalt  }
0x85: {  	_ =	shalt  }
0x86: {  	_ =	shalt  }
0x87: {  	_ =	shalt  }
.Lfunc_end0:
.L_simem_size_0:
called_computation.1_lowered:
.L_overlay_start_0:
0x88: {  	s2 =	sld [smem:$0x3FD9]  }
0x89: {  	s3 =	sld [smem:$0x3FFE];
	_ =	sdelay $0x1  }
0x8a: {  	s1 =	srdreg.scid  }
0x8b: {  	s0 =	sand.u32 $0x1, s1  }
0x8c: {  	s17 =	sshll.u32 s0, $0xA;
	s2 =	sadd.s32 s3, s2  }
0x8d: {  	s2 =	sadd.s32 s2, s17  }
0x8e: {  	[smem:$0x3FC4] =	sst s2  }
0x8f: {  	_ = 	snop  }
0x90: {  	s2 =	sld [smem:$0x3FD0];
	(tm) =	ssettm $0x1  }
0x91: {  	s18 =	sld [smem:$0x3FFB];
	_ =	sdelay $0x3  }
0x92: {  	_ =	strace s18  }
0x93: {  	s3 =	sld [smem:$0x3FFC];
	_ =	sdelay $0x3  }
0x94: {  	_ =	strace s3  }
0x95: {  	s3 =	sld [smem:$0x3FFD];
	_ =	sdelay $0x3  }
0x96: {  	_ =	strace s3  }
0x97: {  	_ =	strace $0x8FFFFFFF  }
0x98: {  	s19 =	sld [smem:$0x3FDB];
	_ =	sdelay $0x1  }
0x99: {  	s4 =	simm.s32 $_scs_section_size  }
0x9a: {  	s5 =	simm.s32 $_size__tile_overlayer_lowered;
	s6 =	simm.s32 $_tile_overlayer_lowered  }
0x9b: {  	s22 =	simm.s32 $0x1BFF;
	s21 =	sshll.u32 s6, $0x1;
	s3 =	sadd.s32 s4, s19  }
0x9c: {  	s7 =	simm.s32 $0x0;
	s20 =	sshll.u32 s5, $0x1;
	s5 =	sadd.s32 s21, s3  }
0x9d: {  	[timem:s7], [sflag:s22] =	dma.local [hbm:s5], s20  }
0x9e: {  	_ =	swait.ge [sflag:s22], s20  }
0x9f: {  	s4 =	ssub.s32 $0x0, s20;
	[sflag:s22] =	ssyncset.done $0x0  }
0xa0: {  	[sflag:s22] =	ssyncadd.s32 s4;
	_ =	sdelay $0x1  }
0xa1: {  	s23 =	simm.s32 $0x1B8B  }
0xa2: {  	_ =	swait.ge [sflag:s23], $0x1  }
0xa3: {  	[sflag:s23] =	ssyncset.done $0x0  }
0xa4: {  	s25 =	simm.s32 $0x1B8E;
	s24 =	sld [smem:$0x3FFE];
	[sflag:s23] =	ssyncadd.s32 $0xFFFFFFFF  }
0xa5: {  	s26 =	simm.s32 $execute0_lowered;
	[smem:$0x3FD2] =	sst s25  }
0xa6: {  	s5 =	sshll.u32 s26, $0x1;
	_ =	strace $0x80000046;
	[dreg:$0x1] =	wrdreg $0xFFFFFFFF  }
0xa7: {  	s28 =	simm.s32 $_size_execute0_lowered;
	s3 =	sadd.s32 s3, s5;
	[dreg:$0x0] =	wrdreg $0x0  }
0xa8: {  	s5 =	sshll.u32 s28, $0x1;
	[dreg:$0x2] =	wrdreg s3  }
0xa9: {  	[dreg:$0x3] =	wrdreg s5  }
0xaa: {  	[dreg:$0x4] =	wrdreg $0xC0  }
0xab: {  	_ =	task [dreg:s7], $0x5FFFF  }
0xac: {  	[dreg:$0x1] =	wrdreg $0xFFFFFFFF  }
0xad: {  	[dreg:$0x0] =	wrdreg $0x60  }
0xae: {  	[dreg:$0x2] =	wrdreg s24  }
0xaf: {  	[dreg:$0x3] =	wrdreg s2  }
0xb0: {  	[dreg:$0x4] =	wrdreg $0x0  }
0xb1: {  	[dreg:$0x5] =	wrdreg $0x9  }
0xb2: {  	_ =	task.clear_ibuf [dreg:s7], $0x6FFFF;
	_ =	strace $0x90000046  }
0xb3: {  	s29 =	simm.s32 $0x9;
	_ =	strace $0x80000048  }
0xb4: {  	_ =	swait.ge [sflag:s29], $0x1  }
0xb5: {  	[sflag:s29] =	ssyncadd.s32 $0xFFFFFFFF  }
0xb6: {  	_ =	strace $0x90000048  }
0xb7: {  	_ =	sfence  }
0xb8: {  	s30 =	sld [smem:$0x0];
	_ =	sdelay $0x2  }
0xb9: {  	s31 =	sshll.u32 s1, $0xD;
	s1 =	sshrl.u32 s1, $0x2  }
0xba: {  	s3 =	sand.u32 $0x4000, s31;
	s1 =	sadd.s32 s1, s30  }
0xbb: {  	s0 =	sor.u32 s3, s0;
	s1 =	sshll.u32 s1, $0x11  }
0xbc: {  	s0 =	sor.u32 s1, s0  }
0xbd: {  	s0 =	sadd.s32 $0x8F2B, s0  }
0xbe: {  	[sflag:s0] =	ssyncadd.remote.s32 $0x1  }
0xbf: {  	_ =	sfence.sel $0xFFFF  }
0xc0: {  	[dreg:$0x0] =	wrdreg $0xFFFFFFFF;
	(pc) =	sbr.abs _section_cstart, $3  }
0xc1: {  	[dreg:$0x1] =	wrdreg $0xFFFFFFFF  }
0xc2: {  	_ =	task.clear_ibuf [dreg:s7], $0x2FFFF;
	_ =	strace $0x9FFFFFFF  }
0xc3: {  	(tm) =	ssettm $0x7FFFFFFF  }
tec
execute0_lowered:
.L_overlay_start_1:
0x0: {  	(tag) =	ssettag $0x1  }
0x1: {  	s0 =	rddreg [dreg:$0x0]  }
0x2: {  	s1 =	rddreg [dreg:$0x1]  }
0x3: {  	s2 =	rddreg [dreg:$0x2]  }
0x4: {  	s4 =	simm.s32 $0x0;
	s3 =	srdreg.scid;
	s6 =	stileid.u32  }
0x5: {  	s13 =	simm.s32 $0xF;
	s11 =	simm.s32 $0x1;
	s28 =	simm.s32 $0x40  }
0x6: {  	s29 =	simm.s32 $0x80;
	s30 =	simm.s32 $0x10;
	s31 =	simm.s32 $0x9920  }
0x7: {  	[smem:$0x7FF] =	sst s4;
	s3 =	sand.u32 $0x1, s3;
	s5 =	sshll.u32 s6, $0x8  }
0x8: {  	s4 =	sadd.s32 $0xF43200, s0;
	s14 =	sadd.s32 $0x19E00, s0;
	s8 =	sadd.s32 $0x1A600, s0  }
0x9: {  	p0 =	sne.s32 s6, $0x0;
	s6 =	simm.s32 $0x28;
	_ =	strace $0x80000047  }
0xa: {  	s7 =	sshll.u32 s3, $0x7;
	s3 =	ssub.s32 $0x2, s3;
	[dreg:$0x4] =	wrdreg s14  }
0xb: {  	s14 =	simm.s32 $0x6720;
	s5 =	sor.u32 s7, s5;
	s9 =	sshrl.u32 s3, $0x1  }
0xc: {  	s7 =	sadd.s32 $0xE00, s0;
	s10 =	smul.u32 $0x19, s5;
	s24 =	sor.u32 $0x4, s5  }
0xd: {  	s15 =	ssub.s32 s3, s9;
	s25 =	sor.u32 $0x5, s5;
	[dreg:$0xd] =	wrdreg s24  }
0xe: {  	s26 =	sor.u32 $0x6, s5;
	s9 =	simm.s32 $0x3;
	[dreg:$0xe] =	wrdreg s25  }
0xf: {  	[dreg:$0xf] =	wrdreg s26;
	s0 =	smax.u32 s15, $0x1;
	s15 =	simm.s32 $0x4  }
0x10: {  	s24 =	simm.s32 $0x8;
	s16 =	sadd.s32 s1, s10;
	[dreg:$0x10] =	wrdreg s0  }
0x11: {  	s17 =	sadd.s32 s7, s10;
	s18 =	sor.u32 $0x19, s10;
	[dreg:$0x5] =	wrdreg s16  }
0x12: {  	s20 =	sor.u32 $0x32, s10;
	s0 =	sshrl.u32 @!p0 s2, $0x3;
	[dreg:$0x6] =	wrdreg s17  }
0x13: {  	s22 =	sor.u32 $0x4B, s10;
	s19 =	sadd.s32 s1, s18;
	[dreg:$0x11] =	wrdreg s0  }
0x14: {  	s10 =	simm.s32 $0xC8;
	s3 =	sadd.s32 s7, s18;
	[dreg:$0x7] =	wrdreg s19  }
0x15: {  	s21 =	sadd.s32 s1, s20;
	s23 =	sadd.s32 s1, s22;
	[dreg:$0x8] =	wrdreg s3  }
0x16: {  	s0 =	simm.s32 $0x6;
	s17 =	simm.s32 $0x0;
	[dreg:$0x9] =	wrdreg s21  }
0x17: {  	s3 =	sadd.s32 s7, s20;
	[dreg:$0xb] =	wrdreg s23;
	s20 =	sor.u32 $0x7, s5  }
0x18: {  	s23 =	simm.s32 $0x7;
	[dreg:$0xa] =	wrdreg s3;
	s3 =	sadd.s32 s7, s22  }
0x19: {  	s22 =	simm.s32 $0x2;
	[dreg:$0xc] =	wrdreg s3;
	s3 =	simm.s32 $0x5  }
.LBB2_1:
0x1a: {  	[dreg:$0x12] =	wrdreg s17  }
0x1b: {  	s16 =	rddreg [dreg:$0x4]  }
0x1c: {  	s12 =	simm.s32 @!p0 $0x1C11;
	s17 =	rddreg [dreg:$0x11]  }
0x1d: {  	[spmem:s17], [sflag:s12] =	dma.local @!p0 [hbm:s16], $0x640  }
0x1e: {  	s12 =	simm.s32 @!p0 $0x11  }
0x1f: {  	_ =	swait.ge @!p0 [sflag:s12], $0x640  }
0x20: {  	[sflag:s12] =	ssyncset.done @!p0 $0x0  }
0x21: {  	[sflag:s12] =	ssyncadd.s32 @!p0 $0xFFFFF9C0  }
0x22: {  	[bflag:$0x0] =	sbarrier.arrive $0xFFFF  }
0x23: {  	s17 =	simm.s32 $0x19320;
	s12 =	simm.s32 $0x0;
	s18 =	rddreg [dreg:$0x5]  }
0x24: {  	[tilespmem:s17], [sflag:$0xD] =	stream.linear.gather [hbm4b:s18+s12], $0xC8, $0x38;
	[tilespmem:$0x19960] =	vst v63  }
0x25: {  	s19 =	rddreg [dreg:$0x6];
	s18 =	simm.s32 $0x19640  }
0x26: {  	[tilespmem:s18], [sflag:$0xD] =	stream.linear.gather [hbm4b:s19+s12], $0xC8, $0x38;
	[tilespmem:$0x19960] =	vst v63  }
0x27: {  	s21 =	rddreg [dreg:$0x7];
	s19 =	simm.s32 $0x193E8  }
0x28: {  	[tilespmem:s19], [sflag:$0xE] =	stream.linear.gather [hbm4b:s21+s12], $0xC8, $0x38;
	[tilespmem:$0x19960] =	vst v63  }
0x29: {  	s25 =	rddreg [dreg:$0x8];
	s21 =	simm.s32 $0x19708  }
0x2a: {  	[tilespmem:s21], [sflag:$0xE] =	stream.linear.gather [hbm4b:s25+s12], $0xC8, $0x38;
	[tilespmem:$0x19960] =	vst v63  }
0x2b: {  	s26 =	rddreg [dreg:$0x9];
	s25 =	simm.s32 $0x194B0  }
0x2c: {  	[tilespmem:s25], [sflag:$0xF] =	stream.linear.gather [hbm4b:s26+s12], $0xC8, $0x38;
	[tilespmem:$0x19960] =	vst v63  }
0x2d: {  	s25 =	rddreg [dreg:$0xa];
	s26 =	simm.s32 $0x197D0  }
0x2e: {  	[tilespmem:s26], [sflag:$0xF] =	stream.linear.gather [hbm4b:s25+s12], $0xC8, $0x38;
	[tilespmem:$0x19960] =	vst v63  }
0x2f: {  	s25 =	rddreg [dreg:$0xb];
	s26 =	simm.s32 $0x19578  }
0x30: {  	[tilespmem:s26], [sflag:$0x10] =	stream.linear.gather [hbm4b:s25+s12], $0xC8, $0x38;
	[tilespmem:$0x19960] =	vst v63  }
0x31: {  	s25 =	rddreg [dreg:$0xc];
	s26 =	simm.s32 $0x19898  }
0x32: {  	[tilespmem:s26], [sflag:$0x10] =	stream.linear.gather [hbm4b:s25+s12], $0xC8, $0x38;
	[tilespmem:$0x19960] =	vst v63  }
0x33: {  	s26 =	simm.s32 $0xD  }
0x34: {  	_ =	swait.ge [sflag:s26], $0xC8  }
0x35: {  	[sflag:s26] =	ssyncset.done $0x0  }
0x36: {  	[sflag:s26] =	ssyncadd.s32 $0xFFFFFF38  }
0x37: {  	_ =	swait.ge [sflag:s26], $0xC8  }
0x38: {  	[sflag:s26] =	ssyncset.done $0x0  }
0x39: {  	s16 =	simm.s32 $0x320;
	[sflag:s26] =	ssyncadd.s32 $0xFFFFFF38  }
0x3a: {  	[tilespmem:s16], [sflag:$0x1] =	stream.indirect.gather [hbm4b:s4+s6], $0x40, s17, s6, $0xb8;
	[tilespmem:$0x19960] =	vst v63  }
0x3b: {  	s25 =	simm.s32 $0x19348;
	s26 =	simm.s32 $0xD20  }
0x3c: {  	[tilespmem:s26], [sflag:$0x1] =	stream.indirect.gather [hbm4b:s4+s6], $0x40, s25, s6, $0xb8;
	[tilespmem:$0x19960] =	vst v63  }
0x3d: {  	s16 =	simm.s32 $0x19370;
	s17 =	simm.s32 $0x1720  }
0x3e: {  	[tilespmem:s17], [sflag:$0x1] =	stream.indirect.gather [hbm4b:s4+s6], $0x40, s16, s6, $0xb8;
	[tilespmem:$0x19960] =	vst v63  }
0x3f: {  	s25 =	simm.s32 $0x19398;
	s26 =	simm.s32 $0x2120  }
0x40: {  	[tilespmem:s26], [sflag:$0x1] =	stream.indirect.gather [hbm4b:s4+s6], $0x40, s25, s6, $0xb8;
	[tilespmem:$0x19960] =	vst v63  }
0x41: {  	s17 =	simm.s32 $0x193C0;
	s25 =	simm.s32 $0x2B20  }
0x42: {  	[tilespmem:s25], [sflag:$0x1] =	stream.indirect.gather [hbm4b:s4+s6], $0x40, s17, s6, $0xb8;
	[tilespmem:$0x19960] =	vst v63  }
0x43: {  	s16 =	simm.s32 $0xE;
	s26 =	simm.s32 $0xCB20  }
0x44: {  	[tilespmem:s26], [sflag:$0x5] =	stream.indirect.gather [spmem:s2], $0x40, s18, s10, $0xb8;
	[tilespmem:$0x19960] =	vst v63  }
0x45: {  	_ =	swait.ge [sflag:s16], $0xC8  }
0x46: {  	[sflag:s16] =	ssyncset.done $0x0  }
0x47: {  	[sflag:s16] =	ssyncadd.s32 $0xFFFFFF38  }
0x48: {  	_ =	swait.ge [sflag:s16], $0xC8  }
0x49: {  	[sflag:s16] =	ssyncset.done $0x0  }
0x4a: {  	s17 =	simm.s32 $0x3520;
	[sflag:s16] =	ssyncadd.s32 $0xFFFFFF38  }
0x4b: {  	[tilespmem:s17], [sflag:$0x2] =	stream.indirect.gather [hbm4b:s4+s6], $0x40, s19, s6, $0xb8;
	[tilespmem:$0x19960] =	vst v63  }
0x4c: {  	s18 =	simm.s32 $0x19410;
	s19 =	simm.s32 $0x3F20  }
0x4d: {  	[tilespmem:s19], [sflag:$0x2] =	stream.indirect.gather [hbm4b:s4+s6], $0x40, s18, s6, $0xb8;
	[tilespmem:$0x19960] =	vst v63  }
0x4e: {  	s25 =	simm.s32 $0x19438;
	s26 =	simm.s32 $0x4920  }
0x4f: {  	[tilespmem:s26], [sflag:$0x2] =	stream.indirect.gather [hbm4b:s4+s6], $0x40, s25, s6, $0xb8;
	[tilespmem:$0x19960] =	vst v63  }
0x50: {  	s17 =	simm.s32 $0x19460;
	s18 =	simm.s32 $0x5320  }
0x51: {  	[tilespmem:s18], [sflag:$0x2] =	stream.indirect.gather [hbm4b:s4+s6], $0x40, s17, s6, $0xb8;
	[tilespmem:$0x19960] =	vst v63  }
0x52: {  	s19 =	simm.s32 $0x19488;
	s25 =	simm.s32 $0x5D20  }
0x53: {  	[tilespmem:s25], [sflag:$0x2] =	stream.indirect.gather [hbm4b:s4+s6], $0x40, s19, s6, $0xb8;
	[tilespmem:$0x19960] =	vst v63  }
0x54: {  	s16 =	simm.s32 $0x0;
	s26 =	simm.s32 $0xFD20  }
0x55: {  	[tilespmem:s26], [sflag:$0x6] =	stream.indirect.gather [spmem:s2], $0x40, s21, s10, $0xb8;
	[tilespmem:$0x19960] =	vst v63  }
.LBB2_2:
0x56: {  	_ =	swait.ge [sflag:s13], $0xC8  }
0x57: {  	[sflag:s13] =	ssyncset.done $0x0  }
0x58: {  	[sflag:s13] =	ssyncadd.s32 $0xFFFFFF38  }
0x59: {  	_ =	swait.ge [sflag:s13], $0xC8  }
0x5a: {  	p2 =	seq.s32 s16, $0x0;
	[sflag:s13] =	ssyncset.done $0x0  }
0x5b: {  	s12 =	simm.s32 @!p2 $0xB;
	[sflag:s13] =	ssyncadd.s32 $0xFFFFFF38  }
0x5c: {  	_ =	swait.ge @!p2 [sflag:s12], $0x3200  }
0x5d: {  	[sflag:s12] =	ssyncset.done @!p2 $0x0  }
0x5e: {  	s19 =	simm.s32 $0x194B0;
	[sflag:s12] =	ssyncadd.s32 @!p2 $0xFFFFCE00  }
0x5f: {  	[tilespmem:s14], [sflag:$0x3] =	stream.indirect.gather [hbm4b:s4+s6], $0x40, s19, s6, $0xb8;
	[tilespmem:$0x19960] =	vst v63  }
0x60: {  	s21 =	simm.s32 $0x194D8;
	s17 =	simm.s32 $0x7120  }
0x61: {  	[tilespmem:s17], [sflag:$0x3] =	stream.indirect.gather [hbm4b:s4+s6], $0x40, s21, s6, $0xb8;
	[tilespmem:$0x19960] =	vst v63  }
0x62: {  	s25 =	simm.s32 $0x19500;
	s26 =	simm.s32 $0x7B20  }
0x63: {  	[tilespmem:s26], [sflag:$0x3] =	stream.indirect.gather [hbm4b:s4+s6], $0x40, s25, s6, $0xb8;
	[tilespmem:$0x19960] =	vst v63  }
0x64: {  	s18 =	simm.s32 $0x8520;
	s17 =	simm.s32 $0x19528  }
0x65: {  	[tilespmem:s18], [sflag:$0x3] =	stream.indirect.gather [hbm4b:s4+s6], $0x40, s17, s6, $0xb8;
	[tilespmem:$0x19960] =	vst v63  }
0x66: {  	s19 =	simm.s32 $0x19550;
	s21 =	simm.s32 $0x8F20  }
0x67: {  	[tilespmem:s21], [sflag:$0x3] =	stream.indirect.gather [hbm4b:s4+s6], $0x40, s19, s6, $0xb8;
	[tilespmem:$0x19960] =	vst v63  }
0x68: {  	s25 =	simm.s32 $0x197D0;
	s26 =	simm.s32 $0x12F20  }
0x69: {  	[tilespmem:s26], [sflag:$0x7] =	stream.indirect.gather [spmem:s2], $0x40, s25, s10, $0xb8;
	[tilespmem:$0x19960] =	vst v63  }
0x6a: {  	_ =	swait.ge [sflag:s11], $0xA00  }
0x6b: {  	[sflag:s11] =	ssyncset.done $0x0  }
0x6c: {  	[sflag:s11] =	ssyncadd.s32 $0xFFFFF600  }
0x6d: {  	_ =	swait.ge [sflag:s11], $0xA00  }
0x6e: {  	[sflag:s11] =	ssyncset.done $0x0  }
0x6f: {  	[sflag:s11] =	ssyncadd.s32 $0xFFFFF600  }
0x70: {  	_ =	swait.ge [sflag:s11], $0xA00  }
0x71: {  	[sflag:s11] =	ssyncset.done $0x0  }
0x72: {  	[sflag:s11] =	ssyncadd.s32 $0xFFFFF600  }
0x73: {  	_ =	swait.ge [sflag:s11], $0xA00  }
0x74: {  	[sflag:s11] =	ssyncset.done $0x0  }
0x75: {  	[sflag:s11] =	ssyncadd.s32 $0xFFFFF600  }
0x76: {  	_ =	swait.ge [sflag:s11], $0xA00  }
0x77: {  	[sflag:s11] =	ssyncset.done $0x0  }
0x78: {  	[sflag:s11] =	ssyncadd.s32 $0xFFFFF600  }
0x79: {  	_ =	swait.ge [sflag:s3], $0x3200  }
0x7a: {  	p1 =	seq.s32 s16, $0x1F;
	s25 =	sshll.u32 s16, $0x2;
	s12 =	rddreg [dreg:$0xd]  }
0x7b: {  	s12 =	sadd.s32 @!p1 s25, s12  }
0x7c: {  	s12 =	smul.u32 @!p1 $0x19, s12  }
0x7d: {  	s18 =	simm.s32 @!p1 $0x0;
	[sflag:s3] =	ssyncset.done $0x0  }
0x7e: {  	s21 =	simm.s32 @!p1 $0x19320;
	[sflag:s3] =	ssyncadd.s32 $0xFFFFCE00;
	s17 =	sadd.s32 @!p1 s1, s12  }
0x7f: {  	[tilespmem:s21], [sflag:$0xD] =	stream.linear.gather @!p1 [hbm4b:s17+s18], $0xC8, $0x38;
	[tilespmem:$0x19960] =	vst v63  }
0x80: {  	s12 =	sadd.s32 @!p1 s7, s12;
	s17 =	simm.s32 @!p1 $0x19640;
	s21 =	simm.s32 $0x0  }
0x81: {  	[tilespmem:s17], [sflag:$0xD] =	stream.linear.gather @!p1 [hbm4b:s12+s18], $0xC8, $0x38;
	[tilespmem:$0x19960] =	vst v63  }
0x82: {  	v5 =	vld [tilespmem:s21+$0xCB20]  }
0x83: {  	v6 =	vld [tilespmem:s21+$0xCB30]  }
0x84: {  	v1 =	vld [tilespmem:s21+$0xCB40]  }
0x85: {  	v0 =	vld [tilespmem:s21+$0xCB50]  }
0x86: {  	v2 =	vld [tilespmem:s21+$0x320]  }
0x87: {  	v3 =	vld [tilespmem:s21+$0x330]  }
0x88: {  	s12 =	sor.u32 $0x2, s25;
	s17 =	simm.s32 $0x100;
	v4 =	vld [tilespmem:s21+$0x340]  }
.LBB2_3:
0x89: {  	s18 =	sshra.s32 s17, $0x2;
	p3 =	sne.s32 s17, $0xC700;
	v7 =	vld [tilespmem:s21+$0x350];
	v8 =	vmov v1  }
0x8a: {  	v9 =	vld [tilespmem:s18+$0xCB20];
	v10 =	vmov v0  }
0x8b: {  	v11 =	vld [tilespmem:s18+$0xCB30];
	v2 =	vadd.f32 v5, v2  }
.Ltmp0:
0x8c: {  	v1 =	vld [tilespmem:s18+$0xCB40];
	v3 =	vadd.f32 v6, v3;
	(pc) =	sbr.rel @p3 .LBB2_3-.Ltmp0, $4  }
0x8d: {  	v0 =	vld [tilespmem:s18+$0xCB50];
	[tilespmem:s21+$0x320] =	vst v2;
	v4 =	vadd.f32 v8, v4  }
0x8e: {  	v2 =	vld [tilespmem:s18+$0x320];
	[tilespmem:s21+$0x330] =	vst v3;
	v7 =	vadd.f32 v10, v7  }
0x8f: {  	v3 =	vld [tilespmem:s18+$0x330];
	[tilespmem:s21+$0x340] =	vst v4;
	v5 =	vmov v9  }
0x90: {  	s17 =	sadd.s32 $0x100, s17;
	v4 =	vld [tilespmem:s18+$0x340];
	[tilespmem:s21+$0x350] =	vst v7;
	v6 =	vmov v11;
	s21 =	smov.u32 s18  }
0x91: {  	v7 =	vld [tilespmem:s21+$0x350];
	_ =	sdelay $0x1  }
0x92: {  	v2 =	vadd.f32 v5, v2  }
0x93: {  	v3 =	vadd.f32 v6, v3  }
0x94: {  	s17 =	sadd.s32 s5, s25;
	[tilespmem:s21+$0x320] =	vst v2;
	v1 =	vadd.f32 v1, v4  }
0x95: {  	s17 =	smul.u32 $0xC80, s17;
	[tilespmem:s21+$0x330] =	vst v3;
	v0 =	vadd.f32 v0, v7  }
0x96: {  	[tilespmem:s21+$0x340] =	vst v1  }
0x97: {  	s18 =	simm.s32 $0x320;
	s17 =	sadd.s32 s8, s17;
	[tilespmem:s21+$0x350] =	vst v0  }
0x98: {  	[hbm4b:s17+s28] =	stream.strided.scatter [tilespmem:s18], [sflag:$0x9], $0x3200, s29, s28, $0x38;
	[tilespmem:$0x19960] =	vst v63  }
0x99: {  	_ =	swait.ge [sflag:s30], $0xC8  }
0x9a: {  	[sflag:s30] =	ssyncset.done $0x0  }
0x9b: {  	[sflag:s30] =	ssyncadd.s32 $0xFFFFFF38  }
0x9c: {  	_ =	swait.ge [sflag:s30], $0xC8  }
0x9d: {  	[sflag:s30] =	ssyncset.done $0x0  }
0x9e: {  	s17 =	simm.s32 @!p2 $0xC;
	[sflag:s30] =	ssyncadd.s32 $0xFFFFFF38  }
0x9f: {  	_ =	swait.ge @!p2 [sflag:s17], $0x3200  }
0xa0: {  	[sflag:s17] =	ssyncset.done @!p2 $0x0  }
0xa1: {  	s19 =	simm.s32 $0x19578;
	[sflag:s17] =	ssyncadd.s32 @!p2 $0xFFFFCE00  }
0xa2: {  	[tilespmem:s31], [sflag:$0x4] =	stream.indirect.gather [hbm4b:s4+s6], $0x40, s19, s6, $0xb8;
	[tilespmem:$0x19960] =	vst v63  }
0xa3: {  	s26 =	simm.s32 $0xA320;
	s21 =	simm.s32 $0x195A0  }
0xa4: {  	[tilespmem:s26], [sflag:$0x4] =	stream.indirect.gather [hbm4b:s4+s6], $0x40, s21, s6, $0xb8;
	[tilespmem:$0x19960] =	vst v63  }
0xa5: {  	s18 =	simm.s32 $0x195C8;
	s19 =	simm.s32 $0xAD20  }
0xa6: {  	[tilespmem:s19], [sflag:$0x4] =	stream.indirect.gather [hbm4b:s4+s6], $0x40, s18, s6, $0xb8;
	[tilespmem:$0x19960] =	vst v63  }
0xa7: {  	s21 =	simm.s32 $0x195F0;
	s26 =	simm.s32 $0xB720  }
0xa8: {  	[tilespmem:s26], [sflag:$0x4] =	stream.indirect.gather [hbm4b:s4+s6], $0x40, s21, s6, $0xb8;
	[tilespmem:$0x19960] =	vst v63  }
0xa9: {  	s18 =	simm.s32 $0x19618;
	s19 =	simm.s32 $0xC120  }
0xaa: {  	[tilespmem:s19], [sflag:$0x4] =	stream.indirect.gather [hbm4b:s4+s6], $0x40, s18, s6, $0xb8;
	[tilespmem:$0x19960] =	vst v63  }
0xab: {  	s21 =	simm.s32 $0x19898;
	s26 =	simm.s32 $0x16120  }
0xac: {  	[tilespmem:s26], [sflag:$0x8] =	stream.indirect.gather [spmem:s2], $0x40, s21, s10, $0xb8;
	[tilespmem:$0x19960] =	vst v63  }
0xad: {  	_ =	swait.ge [sflag:s22], $0xA00  }
0xae: {  	[sflag:s22] =	ssyncset.done $0x0  }
0xaf: {  	[sflag:s22] =	ssyncadd.s32 $0xFFFFF600  }
0xb0: {  	_ =	swait.ge [sflag:s22], $0xA00  }
0xb1: {  	[sflag:s22] =	ssyncset.done $0x0  }
0xb2: {  	[sflag:s22] =	ssyncadd.s32 $0xFFFFF600  }
0xb3: {  	_ =	swait.ge [sflag:s22], $0xA00  }
0xb4: {  	[sflag:s22] =	ssyncset.done $0x0  }
0xb5: {  	[sflag:s22] =	ssyncadd.s32 $0xFFFFF600  }
0xb6: {  	_ =	swait.ge [sflag:s22], $0xA00  }
0xb7: {  	[sflag:s22] =	ssyncset.done $0x0  }
0xb8: {  	[sflag:s22] =	ssyncadd.s32 $0xFFFFF600  }
0xb9: {  	_ =	swait.ge [sflag:s22], $0xA00  }
0xba: {  	[sflag:s22] =	ssyncset.done $0x0  }
0xbb: {  	[sflag:s22] =	ssyncadd.s32 $0xFFFFF600  }
0xbc: {  	_ =	swait.ge [sflag:s0], $0x3200  }
0xbd: {  	s17 =	rddreg [dreg:$0xe]  }
0xbe: {  	s17 =	sadd.s32 @!p1 s25, s17  }
0xbf: {  	s17 =	smul.u32 @!p1 $0x19, s17  }
0xc0: {  	s21 =	simm.s32 @!p1 $0x0;
	[sflag:s0] =	ssyncset.done $0x0  }
0xc1: {  	s26 =	simm.s32 @!p1 $0x193E8;
	[sflag:s0] =	ssyncadd.s32 $0xFFFFCE00;
	s18 =	sadd.s32 @!p1 s1, s17  }
0xc2: {  	[tilespmem:s26], [sflag:$0xE] =	stream.linear.gather @!p1 [hbm4b:s18+s21], $0xC8, $0x38;
	[tilespmem:$0x19960] =	vst v63  }
0xc3: {  	s17 =	sadd.s32 @!p1 s7, s17;
	s18 =	simm.s32 @!p1 $0x19708  }
0xc4: {  	[tilespmem:s18], [sflag:$0xE] =	stream.linear.gather @!p1 [hbm4b:s17+s21], $0xC8, $0x38;
	[tilespmem:$0x19960] =	vst v63  }
0xc5: {  	s21 =	simm.s32 $0x0  }
0xc6: {  	v4 =	vld [tilespmem:s21+$0xFD20]  }
0xc7: {  	v6 =	vld [tilespmem:s21+$0xFD30]  }
0xc8: {  	v1 =	vld [tilespmem:s21+$0xFD40]  }
0xc9: {  	v0 =	vld [tilespmem:s21+$0xFD50]  }
0xca: {  	v2 =	vld [tilespmem:s21+$0x3520]  }
0xcb: {  	v3 =	vld [tilespmem:s21+$0x3530]  }
0xcc: {  	s26 =	sor.u32 $0x3, s25;
	s17 =	sor.u32 $0x1, s25;
	s18 =	simm.s32 $0x100;
	v5 =	vld [tilespmem:s21+$0x3540]  }
.LBB2_5:
0xcd: {  	s19 =	sshra.s32 s18, $0x2;
	p2 =	sne.s32 s18, $0xC700;
	v7 =	vld [tilespmem:s21+$0x3550];
	v8 =	vmov v1  }
0xce: {  	v9 =	vld [tilespmem:s19+$0xFD20];
	v10 =	vmov v0  }
0xcf: {  	v11 =	vld [tilespmem:s19+$0xFD30];
	v2 =	vadd.f32 v4, v2  }
.Ltmp1:
0xd0: {  	v1 =	vld [tilespmem:s19+$0xFD40];
	v3 =	vadd.f32 v6, v3;
	(pc) =	sbr.rel @p2 .LBB2_5-.Ltmp1, $4  }
0xd1: {  	v0 =	vld [tilespmem:s19+$0xFD50];
	[tilespmem:s21+$0x3520] =	vst v2;
	v5 =	vadd.f32 v8, v5  }
0xd2: {  	v2 =	vld [tilespmem:s19+$0x3520];
	[tilespmem:s21+$0x3530] =	vst v3;
	v7 =	vadd.f32 v10, v7  }
0xd3: {  	v3 =	vld [tilespmem:s19+$0x3530];
	[tilespmem:s21+$0x3540] =	vst v5;
	v4 =	vmov v9  }
0xd4: {  	s18 =	sadd.s32 $0x100, s18;
	v5 =	vld [tilespmem:s19+$0x3540];
	[tilespmem:s21+$0x3550] =	vst v7;
	v6 =	vmov v11;
	s21 =	smov.u32 s19  }
0xd5: {  	v7 =	vld [tilespmem:s21+$0x3550];
	_ =	sdelay $0x1  }
0xd6: {  	v2 =	vadd.f32 v4, v2  }
0xd7: {  	v3 =	vadd.f32 v6, v3  }
0xd8: {  	s17 =	sadd.s32 s5, s17;
	[tilespmem:s21+$0x3520] =	vst v2;
	v1 =	vadd.f32 v1, v5  }
0xd9: {  	s17 =	smul.u32 $0xC80, s17;
	[tilespmem:s21+$0x3530] =	vst v3;
	v0 =	vadd.f32 v0, v7  }
0xda: {  	[tilespmem:s21+$0x3540] =	vst v1  }
0xdb: {  	s18 =	simm.s32 $0x3520;
	s17 =	sadd.s32 s8, s17;
	[tilespmem:s21+$0x3550] =	vst v0  }
0xdc: {  	[hbm4b:s17+s28] =	stream.strided.scatter [tilespmem:s18], [sflag:$0xA], $0x3200, s29, s28, $0x38;
	[tilespmem:$0x19960] =	vst v63  }
0xdd: {  	s17 =	simm.s32 @!p1 $0xD  }
0xde: {  	_ =	swait.ge @!p1 [sflag:s17], $0xC8  }
0xdf: {  	[sflag:s17] =	ssyncset.done @!p1 $0x0  }
0xe0: {  	[sflag:s17] =	ssyncadd.s32 @!p1 $0xFFFFFF38  }
0xe1: {  	_ =	swait.ge @!p1 [sflag:s17], $0xC8  }
0xe2: {  	[sflag:s17] =	ssyncset.done @!p1 $0x0  }
0xe3: {  	[sflag:s17] =	ssyncadd.s32 @!p1 $0xFFFFFF38;
	s17 =	simm.s32 @!p1 $0x9  }
0xe4: {  	_ =	swait.ge @!p1 [sflag:s17], $0x3200  }
0xe5: {  	s19 =	simm.s32 @!p1 $0x320;
	[sflag:s17] =	ssyncset.done @!p1 $0x0  }
0xe6: {  	s18 =	simm.s32 @!p1 $0x19320;
	[sflag:s17] =	ssyncadd.s32 @!p1 $0xFFFFCE00;
	s17 =	simm.s32 @!p1 $0x28  }
0xe7: {  	[tilespmem:s19], [sflag:$0x1] =	stream.indirect.gather @!p1 [hbm4b:s4+s17], $0x40, s18, s17, $0xb8;
	[tilespmem:$0x19960] =	vst v63  }
0xe8: {  	s18 =	simm.s32 @!p1 $0x19348;
	s19 =	simm.s32 @!p1 $0xD20  }
0xe9: {  	[tilespmem:s19], [sflag:$0x1] =	stream.indirect.gather @!p1 [hbm4b:s4+s17], $0x40, s18, s17, $0xb8;
	[tilespmem:$0x19960] =	vst v63  }
0xea: {  	s18 =	simm.s32 @!p1 $0x19370;
	s19 =	simm.s32 @!p1 $0x1720  }
0xeb: {  	[tilespmem:s19], [sflag:$0x1] =	stream.indirect.gather @!p1 [hbm4b:s4+s17], $0x40, s18, s17, $0xb8;
	[tilespmem:$0x19960] =	vst v63  }
0xec: {  	s18 =	simm.s32 @!p1 $0x19398;
	s19 =	simm.s32 @!p1 $0x2120  }
0xed: {  	[tilespmem:s19], [sflag:$0x1] =	stream.indirect.gather @!p1 [hbm4b:s4+s17], $0x40, s18, s17, $0xb8;
	[tilespmem:$0x19960] =	vst v63  }
0xee: {  	s18 =	simm.s32 @!p1 $0x193C0;
	s19 =	simm.s32 @!p1 $0x2B20  }
0xef: {  	[tilespmem:s19], [sflag:$0x1] =	stream.indirect.gather @!p1 [hbm4b:s4+s17], $0x40, s18, s17, $0xb8;
	[tilespmem:$0x19960] =	vst v63  }
0xf0: {  	s17 =	simm.s32 @!p1 $0xC8;
	s18 =	simm.s32 @!p1 $0x19640;
	s19 =	simm.s32 @!p1 $0xCB20  }
0xf1: {  	[tilespmem:s19], [sflag:$0x5] =	stream.indirect.gather @!p1 [spmem:s2], $0x40, s18, s17, $0xb8;
	[tilespmem:$0x19960] =	vst v63  }
0xf2: {  	_ =	swait.ge [sflag:s9], $0xA00  }
0xf3: {  	[sflag:s9] =	ssyncset.done $0x0  }
0xf4: {  	[sflag:s9] =	ssyncadd.s32 $0xFFFFF600  }
0xf5: {  	_ =	swait.ge [sflag:s9], $0xA00  }
0xf6: {  	[sflag:s9] =	ssyncset.done $0x0  }
0xf7: {  	[sflag:s9] =	ssyncadd.s32 $0xFFFFF600  }
0xf8: {  	_ =	swait.ge [sflag:s9], $0xA00  }
0xf9: {  	[sflag:s9] =	ssyncset.done $0x0  }
0xfa: {  	[sflag:s9] =	ssyncadd.s32 $0xFFFFF600  }
0xfb: {  	_ =	swait.ge [sflag:s9], $0xA00  }
0xfc: {  	[sflag:s9] =	ssyncset.done $0x0  }
0xfd: {  	[sflag:s9] =	ssyncadd.s32 $0xFFFFF600  }
0xfe: {  	_ =	swait.ge [sflag:s9], $0xA00  }
0xff: {  	[sflag:s9] =	ssyncset.done $0x0  }
0x100: {  	[sflag:s9] =	ssyncadd.s32 $0xFFFFF600  }
0x101: {  	_ =	swait.ge [sflag:s23], $0x3200  }
0x102: {  	s17 =	rddreg [dreg:$0xf]  }
0x103: {  	s17 =	sadd.s32 @!p1 s25, s17  }
0x104: {  	s17 =	smul.u32 @!p1 $0x19, s17  }
0x105: {  	s21 =	simm.s32 @!p1 $0x194B0;
	[sflag:s23] =	ssyncset.done $0x0  }
0x106: {  	s19 =	simm.s32 @!p1 $0x0;
	[sflag:s23] =	ssyncadd.s32 $0xFFFFCE00;
	s18 =	sadd.s32 @!p1 s1, s17  }
0x107: {  	[tilespmem:s21], [sflag:$0xF] =	stream.linear.gather @!p1 [hbm4b:s18+s19], $0xC8, $0x38;
	[tilespmem:$0x19960] =	vst v63  }
0x108: {  	s17 =	sadd.s32 @!p1 s7, s17;
	s18 =	simm.s32 @!p1 $0x197D0;
	s21 =	simm.s32 $0x0  }
0x109: {  	[tilespmem:s18], [sflag:$0xF] =	stream.linear.gather @!p1 [hbm4b:s17+s19], $0xC8, $0x38;
	[tilespmem:$0x19960] =	vst v63  }
0x10a: {  	v5 =	vld [tilespmem:s21+$0x12F20]  }
0x10b: {  	v6 =	vld [tilespmem:s21+$0x12F30]  }
0x10c: {  	v1 =	vld [tilespmem:s21+$0x12F40]  }
0x10d: {  	v0 =	vld [tilespmem:s21+$0x12F50]  }
0x10e: {  	v2 =	vld [tilespmem:s21+$0x6720]  }
0x10f: {  	v4 =	vld [tilespmem:s21+$0x6730]  }
0x110: {  	s17 =	simm.s32 $0x100;
	v3 =	vld [tilespmem:s21+$0x6740]  }
.LBB2_7:
0x111: {  	s18 =	sshra.s32 s17, $0x2;
	p2 =	sne.s32 s17, $0xC700;
	v7 =	vld [tilespmem:s21+$0x6750];
	v8 =	vmov v1  }
0x112: {  	v9 =	vld [tilespmem:s18+$0x12F20];
	v10 =	vmov v0  }
0x113: {  	v11 =	vld [tilespmem:s18+$0x12F30];
	v2 =	vadd.f32 v5, v2  }
.Ltmp2:
0x114: {  	v1 =	vld [tilespmem:s18+$0x12F40];
	v4 =	vadd.f32 v6, v4;
	(pc) =	sbr.rel @p2 .LBB2_7-.Ltmp2, $4  }
0x115: {  	v0 =	vld [tilespmem:s18+$0x12F50];
	[tilespmem:s21+$0x6720] =	vst v2;
	v3 =	vadd.f32 v8, v3  }
0x116: {  	v2 =	vld [tilespmem:s18+$0x6720];
	[tilespmem:s21+$0x6730] =	vst v4;
	v7 =	vadd.f32 v10, v7  }
0x117: {  	v4 =	vld [tilespmem:s18+$0x6730];
	[tilespmem:s21+$0x6740] =	vst v3;
	v5 =	vmov v9  }
0x118: {  	s17 =	sadd.s32 $0x100, s17;
	v3 =	vld [tilespmem:s18+$0x6740];
	[tilespmem:s21+$0x6750] =	vst v7;
	v6 =	vmov v11;
	s21 =	smov.u32 s18  }
0x119: {  	v7 =	vld [tilespmem:s21+$0x6750];
	_ =	sdelay $0x1  }
0x11a: {  	v2 =	vadd.f32 v5, v2  }
0x11b: {  	v4 =	vadd.f32 v6, v4  }
0x11c: {  	s12 =	sadd.s32 s5, s12;
	[tilespmem:s21+$0x6720] =	vst v2;
	v1 =	vadd.f32 v1, v3  }
0x11d: {  	s12 =	smul.u32 $0xC80, s12;
	[tilespmem:s21+$0x6730] =	vst v4;
	v0 =	vadd.f32 v0, v7  }
0x11e: {  	[tilespmem:s21+$0x6740] =	vst v1  }
0x11f: {  	s12 =	sadd.s32 s8, s12;
	[tilespmem:s21+$0x6750] =	vst v0  }
0x120: {  	[hbm4b:s12+s28] =	stream.strided.scatter [tilespmem:s14], [sflag:$0xB], $0x3200, s29, s28, $0x38;
	[tilespmem:$0x19960] =	vst v63  }
0x121: {  	s12 =	simm.s32 @!p1 $0xE  }
0x122: {  	_ =	swait.ge @!p1 [sflag:s12], $0xC8  }
0x123: {  	[sflag:s12] =	ssyncset.done @!p1 $0x0  }
0x124: {  	[sflag:s12] =	ssyncadd.s32 @!p1 $0xFFFFFF38  }
0x125: {  	_ =	swait.ge @!p1 [sflag:s12], $0xC8  }
0x126: {  	[sflag:s12] =	ssyncset.done @!p1 $0x0  }
0x127: {  	[sflag:s12] =	ssyncadd.s32 @!p1 $0xFFFFFF38;
	s12 =	simm.s32 @!p1 $0xA  }
0x128: {  	_ =	swait.ge @!p1 [sflag:s12], $0x3200  }
0x129: {  	s17 =	simm.s32 @!p1 $0x193E8;
	[sflag:s12] =	ssyncset.done @!p1 $0x0  }
0x12a: {  	s18 =	simm.s32 @!p1 $0x3520;
	[sflag:s12] =	ssyncadd.s32 @!p1 $0xFFFFCE00;
	s12 =	simm.s32 @!p1 $0x28  }
0x12b: {  	[tilespmem:s18], [sflag:$0x2] =	stream.indirect.gather @!p1 [hbm4b:s4+s12], $0x40, s17, s12, $0xb8;
	[tilespmem:$0x19960] =	vst v63  }
0x12c: {  	s17 =	simm.s32 @!p1 $0x19410;
	s18 =	simm.s32 @!p1 $0x3F20  }
0x12d: {  	[tilespmem:s18], [sflag:$0x2] =	stream.indirect.gather @!p1 [hbm4b:s4+s12], $0x40, s17, s12, $0xb8;
	[tilespmem:$0x19960] =	vst v63  }
0x12e: {  	s17 =	simm.s32 @!p1 $0x19438;
	s18 =	simm.s32 @!p1 $0x4920  }
0x12f: {  	[tilespmem:s18], [sflag:$0x2] =	stream.indirect.gather @!p1 [hbm4b:s4+s12], $0x40, s17, s12, $0xb8;
	[tilespmem:$0x19960] =	vst v63  }
0x130: {  	s17 =	simm.s32 @!p1 $0x19460;
	s18 =	simm.s32 @!p1 $0x5320  }
0x131: {  	[tilespmem:s18], [sflag:$0x2] =	stream.indirect.gather @!p1 [hbm4b:s4+s12], $0x40, s17, s12, $0xb8;
	[tilespmem:$0x19960] =	vst v63  }
0x132: {  	s17 =	simm.s32 @!p1 $0x19488;
	s18 =	simm.s32 @!p1 $0x5D20  }
0x133: {  	[tilespmem:s18], [sflag:$0x2] =	stream.indirect.gather @!p1 [hbm4b:s4+s12], $0x40, s17, s12, $0xb8;
	[tilespmem:$0x19960] =	vst v63  }
0x134: {  	s12 =	simm.s32 @!p1 $0xC8;
	s17 =	simm.s32 @!p1 $0x19708;
	s18 =	simm.s32 @!p1 $0xFD20  }
0x135: {  	[tilespmem:s18], [sflag:$0x6] =	stream.indirect.gather @!p1 [spmem:s2], $0x40, s17, s12, $0xb8;
	[tilespmem:$0x19960] =	vst v63  }
0x136: {  	_ =	swait.ge [sflag:s15], $0xA00  }
0x137: {  	[sflag:s15] =	ssyncset.done $0x0  }
0x138: {  	[sflag:s15] =	ssyncadd.s32 $0xFFFFF600  }
0x139: {  	_ =	swait.ge [sflag:s15], $0xA00  }
0x13a: {  	[sflag:s15] =	ssyncset.done $0x0  }
0x13b: {  	[sflag:s15] =	ssyncadd.s32 $0xFFFFF600  }
0x13c: {  	_ =	swait.ge [sflag:s15], $0xA00  }
0x13d: {  	[sflag:s15] =	ssyncset.done $0x0  }
0x13e: {  	[sflag:s15] =	ssyncadd.s32 $0xFFFFF600  }
0x13f: {  	_ =	swait.ge [sflag:s15], $0xA00  }
0x140: {  	[sflag:s15] =	ssyncset.done $0x0  }
0x141: {  	[sflag:s15] =	ssyncadd.s32 $0xFFFFF600  }
0x142: {  	_ =	swait.ge [sflag:s15], $0xA00  }
0x143: {  	[sflag:s15] =	ssyncset.done $0x0  }
0x144: {  	s12 =	sadd.s32 @!p1 s25, s20;
	[sflag:s15] =	ssyncadd.s32 $0xFFFFF600  }
0x145: {  	s12 =	smul.u32 @!p1 $0x19, s12;
	_ =	swait.ge [sflag:s24], $0x3200  }
0x146: {  	s19 =	simm.s32 @!p1 $0x19578;
	[sflag:s24] =	ssyncset.done $0x0  }
0x147: {  	s18 =	simm.s32 @!p1 $0x0;
	s17 =	sadd.s32 @!p1 s1, s12;
	[sflag:s24] =	ssyncadd.s32 $0xFFFFCE00  }
0x148: {  	[tilespmem:s19], [sflag:$0x10] =	stream.linear.gather @!p1 [hbm4b:s17+s18], $0xC8, $0x38;
	[tilespmem:$0x19960] =	vst v63  }
0x149: {  	s12 =	sadd.s32 @!p1 s7, s12;
	s17 =	simm.s32 @!p1 $0x19898  }
0x14a: {  	[tilespmem:s17], [sflag:$0x10] =	stream.linear.gather @!p1 [hbm4b:s12+s18], $0xC8, $0x38;
	[tilespmem:$0x19960] =	vst v63  }
0x14b: {  	s12 =	simm.s32 $0x0  }
0x14c: {  	v5 =	vld [tilespmem:s12+$0x16120]  }
0x14d: {  	v6 =	vld [tilespmem:s12+$0x16130]  }
0x14e: {  	v1 =	vld [tilespmem:s12+$0x16140]  }
0x14f: {  	v0 =	vld [tilespmem:s12+$0x16150]  }
0x150: {  	v2 =	vld [tilespmem:s12+$0x9920]  }
0x151: {  	v4 =	vld [tilespmem:s12+$0x9930]  }
0x152: {  	s17 =	simm.s32 $0x100;
	v3 =	vld [tilespmem:s12+$0x9940]  }
.LBB2_9:
0x153: {  	s18 =	sshra.s32 s17, $0x2;
	p1 =	sne.s32 s17, $0xC700;
	v7 =	vld [tilespmem:s12+$0x9950];
	v8 =	vmov v1  }
0x154: {  	v9 =	vld [tilespmem:s18+$0x16120];
	v10 =	vmov v0  }
0x155: {  	v11 =	vld [tilespmem:s18+$0x16130];
	v2 =	vadd.f32 v5, v2  }
.Ltmp3:
0x156: {  	v1 =	vld [tilespmem:s18+$0x16140];
	v4 =	vadd.f32 v6, v4;
	(pc) =	sbr.rel @p1 .LBB2_9-.Ltmp3, $4  }
0x157: {  	v0 =	vld [tilespmem:s18+$0x16150];
	[tilespmem:s12+$0x9920] =	vst v2;
	v3 =	vadd.f32 v8, v3  }
0x158: {  	v2 =	vld [tilespmem:s18+$0x9920];
	[tilespmem:s12+$0x9930] =	vst v4;
	v7 =	vadd.f32 v10, v7  }
0x159: {  	v4 =	vld [tilespmem:s18+$0x9930];
	[tilespmem:s12+$0x9940] =	vst v3;
	v5 =	vmov v9  }
0x15a: {  	s17 =	sadd.s32 $0x100, s17;
	v3 =	vld [tilespmem:s18+$0x9940];
	[tilespmem:s12+$0x9950] =	vst v7;
	v6 =	vmov v11;
	s12 =	smov.u32 s18  }
0x15b: {  	v7 =	vld [tilespmem:s12+$0x9950];
	_ =	sdelay $0x1  }
0x15c: {  	s16 =	sadd.s32 $0x1, s16;
	v2 =	vadd.f32 v5, v2  }
0x15d: {  	p1 =	sne.s32 s16, $0x20;
	v4 =	vadd.f32 v6, v4  }
.Ltmp4:
0x15e: {  	s17 =	sadd.s32 s5, s26;
	[tilespmem:s12+$0x9920] =	vst v2;
	v1 =	vadd.f32 v1, v3;
	(pc) =	sbr.rel @p1 .LBB2_2-.Ltmp4, $4  }
0x15f: {  	s17 =	smul.u32 $0xC80, s17;
	[tilespmem:s12+$0x9930] =	vst v4;
	v0 =	vadd.f32 v0, v7  }
0x160: {  	[tilespmem:s12+$0x9940] =	vst v1  }
0x161: {  	s26 =	sadd.s32 s8, s17;
	[tilespmem:s12+$0x9950] =	vst v0  }
0x162: {  	[hbm4b:s26+s28] =	stream.strided.scatter [tilespmem:s31], [sflag:$0xC], $0x3200, s29, s28, $0x38;
	[tilespmem:$0x19960] =	vst v63  }
0x163: {  	s12 =	simm.s32 $0x9  }
0x164: {  	_ =	swait.ge [sflag:s12], $0x3200  }
0x165: {  	[sflag:s12] =	ssyncset.done $0x0  }
0x166: {  	s21 =	simm.s32 $0xA;
	[sflag:s12] =	ssyncadd.s32 $0xFFFFCE00  }
0x167: {  	_ =	swait.ge [sflag:s21], $0x3200  }
0x168: {  	[sflag:s21] =	ssyncset.done $0x0  }
0x169: {  	s25 =	simm.s32 $0xB;
	[sflag:s21] =	ssyncadd.s32 $0xFFFFCE00  }
0x16a: {  	_ =	swait.ge [sflag:s25], $0x3200  }
0x16b: {  	[sflag:s25] =	ssyncset.done $0x0  }
0x16c: {  	s16 =	simm.s32 $0xC;
	[sflag:s25] =	ssyncadd.s32 $0xFFFFCE00  }
0x16d: {  	_ =	swait.ge [sflag:s16], $0x3200  }
0x16e: {  	s17 =	rddreg [dreg:$0x12]  }
0x16f: {  	s26 =	rddreg [dreg:$0x10];
	s17 =	sadd.s32 $0x1, s17  }
0x170: {  	p1 =	sne.s32 s17, s26  }
.Ltmp5:
0x171: {  	_ = 	snop;
	(pc) =	sbr.rel @p1 .LBB2_1-.Ltmp5, $3  }
0x172: {  	_ =	sdelay $0x1  }
0x173: {  	[sflag:s16] =	ssyncset.done $0x0  }
0x174: {  	[sflag:s16] =	ssyncadd.s32 $0xFFFFCE00  }
0x175: {  	_ =	sfence.sel $0x180000  }
0x176: {  	[bflag:$0x0] =	sbarrier.arrive $0xFFFF  }
0x177: {  	_ =	strace $0x90000047  }
0x178: {  	[bflag:$0x2] =	sbarrier.arrive $0xFFFF  }
0x179: {  	s0 =	rddreg [dreg:$0x3]  }
0x17a: {  	s0 =	sadd.s32 @!p0 $0x100000, s0  }
0x17b: {  	[sflag:s0] =	ssyncadd.tile.s32 @!p0 $0x1;
	_ =	shalt  }
.Lfunc_end2:
_tile_overlayer_lowered:
.L_overlay_start_2:
0x17c: {  	(tag) =	ssettag $0x2  }
0x17d: {  	s0 =	rddreg [dreg:$0x0];
	s2 =	stileid.u32  }
0x17e: {  	s1 =	rddreg [dreg:$0x1];
	p0 =	sne.s32 s2, $0x0  }
0x17f: {  	s3 =	rddreg [dreg:$0x2];
	[bflag:$0x3] =	sbarrier.arrive $0xFFFF;
	s2 =	simm.s32 @!p0 $0x1C11  }
0x180: {  	[timem:s3], [sflag:s2] =	dma.local @!p0 [hbm:s0], s1  }
0x181: {  	s0 =	simm.s32 @!p0 $0x11  }
0x182: {  	_ =	swait.ge @!p0 [sflag:s0], s1  }
0x183: {  	s1 =	ssub.s32 @!p0 $0x0, s1;
	[sflag:s0] =	ssyncset.done @!p0 $0x0  }
0x184: {  	[sflag:s0] =	ssyncadd.s32 @!p0 s1  }
0x185: {  	[bflag:$0x3] =	sbarrier.arrive $0xFFFF  }
0x186: {  	_ =	shalt  }

// kernel: sparse-core-data-format-call.cloned.1.call-start
scs
called_computation_lowered:
.L_overlay_start_0:
0x0: {  	s2 =	sld [smem:$0x3FD9]  }
0x1: {  	s3 =	sld [smem:$0x3FFE];
	_ =	sdelay $0x1  }
0x2: {  	s1 =	srdreg.scid  }
0x3: {  	s0 =	sand.u32 $0x1, s1  }
0x4: {  	s18 =	sshll.u32 s0, $0xA;
	s2 =	sadd.s32 s3, s2  }
0x5: {  	s2 =	sadd.s32 s2, s18  }
0x6: {  	[smem:$0x3FC4] =	sst s2  }
0x7: {  	_ = 	snop  }
0x8: {  	s2 =	sld [smem:$0x3FD0];
	(tm) =	ssettm $0x1  }
0x9: {  	s19 =	sld [smem:$0x3FFB];
	_ =	sdelay $0x3  }
0xa: {  	_ =	strace s19  }
0xb: {  	s3 =	sld [smem:$0x3FFC];
	_ =	sdelay $0x3  }
0xc: {  	_ =	strace s3  }
0xd: {  	s3 =	sld [smem:$0x3FFD];
	_ =	sdelay $0x3  }
0xe: {  	_ =	strace s3  }
0xf: {  	_ =	strace $0x8FFFFFFF  }
0x10: {  	s20 =	sld [smem:$0x3FDB];
	_ =	sdelay $0x1  }
0x11: {  	s4 =	simm.s32 $_scs_section_size  }
0x12: {  	s5 =	simm.s32 $_size__tile_overlayer_lowered;
	s6 =	simm.s32 $_tile_overlayer_lowered  }
0x13: {  	s23 =	simm.s32 $0x1BFF;
	s22 =	sshll.u32 s6, $0x1;
	s3 =	sadd.s32 s4, s20  }
0x14: {  	s7 =	simm.s32 $0x0;
	s21 =	sshll.u32 s5, $0x1;
	s5 =	sadd.s32 s22, s3  }
0x15: {  	[timem:s7], [sflag:s23] =	dma.local [hbm:s5], s21  }
0x16: {  	_ =	swait.ge [sflag:s23], s21  }
0x17: {  	s4 =	ssub.s32 $0x0, s21;
	[sflag:s23] =	ssyncset.done $0x0  }
0x18: {  	[sflag:s23] =	ssyncadd.s32 s4;
	_ =	sdelay $0x1  }
0x19: {  	s24 =	simm.s32 $0x1B8B  }
0x1a: {  	_ =	swait.ge [sflag:s24], $0x1  }
0x1b: {  	[sflag:s24] =	ssyncset.done $0x0  }
0x1c: {  	s26 =	simm.s32 $0x1B8E;
	s25 =	sld [smem:$0x3FFE];
	[sflag:s24] =	ssyncadd.s32 $0xFFFFFFFF  }
0x1d: {  	s27 =	simm.s32 $execute0_lowered;
	[smem:$0x3FD2] =	sst s26  }
0x1e: {  	s5 =	sshll.u32 s27, $0x1;
	_ =	strace $0x80000049;
	[dreg:$0x1] =	wrdreg $0xFFFFFFFF  }
0x1f: {  	s28 =	simm.s32 $_size_execute0_lowered;
	s3 =	sadd.s32 s3, s5;
	[dreg:$0x0] =	wrdreg $0x0  }
0x20: {  	s5 =	sshll.u32 s28, $0x1;
	[dreg:$0x2] =	wrdreg s3  }
0x21: {  	[dreg:$0x3] =	wrdreg s5  }
0x22: {  	[dreg:$0x4] =	wrdreg $0xC0  }
0x23: {  	_ =	task [dreg:s7], $0x5FFFF  }
0x24: {  	[dreg:$0x1] =	wrdreg $0xFFFFFFFF  }
0x25: {  	[dreg:$0x0] =	wrdreg $0x60  }
0x26: {  	[dreg:$0x2] =	wrdreg s25  }
0x27: {  	[dreg:$0x3] =	wrdreg s2  }
0x28: {  	[dreg:$0x4] =	wrdreg $0x9  }
0x29: {  	_ =	task.clear_ibuf [dreg:s7], $0x5FFFF;
	_ =	strace $0x90000049  }
0x2a: {  	s29 =	simm.s32 $0x9;
	_ =	strace $0x8000004B  }
0x2b: {  	_ =	swait.ge [sflag:s29], $0x1  }
0x2c: {  	[sflag:s29] =	ssyncadd.s32 $0xFFFFFFFF  }
0x2d: {  	_ =	strace $0x9000004B  }
0x2e: {  	_ =	sfence  }
0x2f: {  	s30 =	sld [smem:$0x0];
	_ =	sdelay $0x2  }
0x30: {  	s31 =	sshll.u32 s1, $0xD;
	s1 =	sshrl.u32 s1, $0x2  }
0x31: {  	s3 =	sand.u32 $0x4000, s31;
	s1 =	sadd.s32 s1, s30  }
0x32: {  	s0 =	sor.u32 s3, s0;
	s1 =	sshll.u32 s1, $0x11  }
0x33: {  	s0 =	sor.u32 s1, s0  }
0x34: {  	s0 =	sadd.s32 $0x8F2B, s0  }
0x35: {  	[sflag:s0] =	ssyncadd.remote.s32 $0x1  }
0x36: {  	_ =	sfence.sel $0xFFFF  }
0x37: {  	[dreg:$0x0] =	wrdreg $0xFFFFFFFF;
	(pc) =	sbr.abs _section_cstart, $3  }
0x38: {  	[dreg:$0x1] =	wrdreg $0xFFFFFFFF  }
0x39: {  	_ =	task.clear_ibuf [dreg:s7], $0x2FFFF;
	_ =	strace $0x9FFFFFFF  }
0x3a: {  	(tm) =	ssettm $0x7FFFFFFF  }
0x3b: {  	_ =	shalt  }
tec
execute0_lowered:
.L_overlay_start_1:
0x0: {  	(tag) =	ssettag $0x1  }
0x1: {  	s0 =	srdreg.scid  }
0x2: {  	s1 =	sshll.u32 s0, $0x4  }
0x3: {  	s0 =	stileid.u32;
	s1 =	sand.u32 $0x10, s1  }
0x4: {  	s1 =	sor.u32 s0, s1  }
0x5: {  	s6 =	rddreg [dreg:$0x0];
	s4 =	simm.s32 $0x1;
	s2 =	sshll.u32 s1, $0x7  }
0x6: {  	s7 =	simm.s32 $0x2;
	s12 =	simm.s32 $0x0;
	s1 =	ssub.s32 $0x1000, s2  }
0x7: {  	s8 =	simm.s32 $0x8000;
	s13 =	simm.s32 $0x0;
	s3 =	sand.u32 $0xF80, s1  }
0x8: {  	s9 =	simm.s32 $0x0;
	s5 =	sshrl.u32 s1, $0xC;
	p0 =	sne.s32 s3, $0x0  }
.Ltmp0:
0x9: {  	s1 =	rddreg [dreg:$0x2];
	s4 =	simm.s32 @!p0 $0x0;
	(pc) =	sbr.rel .LBB1_1-.Ltmp0, $4  }
0xa: {  	s11 =	simm.s32 $0x0;
	s3 =	rddreg [dreg:$0x1];
	s5 =	sadd.s32 s4, s5  }
0xb: {  	_ =	strace $0x8000004A;
	s4 =	simm.s32 $0x1;
	s5 =	smul.u32 $0xC8, s5  }
0xc: {  	s6 =	sadd.s32 $0x1A600, s6;
	s10 =	smov.u32 s2;
	[sflag:s4] =	ssyncpa.u1 $0x0  }
0xd: {  	p0 =	por $0x0, $0x0;
	[sflag:s7] =	ssyncpa.u1 $0x0;
	s7 =	sor.u32 $0x1, s5  }
.LBB1_4:
0xe: {  	s16 =	sshll.u32 s13, $0x3;
	s17 =	sand.u32 $0x78, s13  }
0xf: {  	s30 =	sand.u32 $0x7E00, s13;
	s12 =	sshll.u32 s12, $0xF;
	s16 =	sand.u32 $0xC00, s16  }
0x10: {  	[tilespmem:s15+$0x810 ss:$0x81] =	vst.msk $0xffff, v2;
	s31 =	sand.u32 $0x7, s13;
	s16 =	sor.u32 s17, s16;
	s17 =	sadd.s32 s3, s30  }
0x11: {  	[tilespmem:s15+$0x1020 ss:$0x81] =	vst.msk $0xffff, v0;
	s13 =	sshll.u32 s31, $0x12;
	s12 =	sadd.s32 s12, s17;
	s16 =	sshrl.u32 s16, $0x3  }
0x12: {  	[tilespmem:s15+$0x0 ss:$0x81] =	vst.msk $0xffff, v1;
	s13 =	sor.u32 $0x400, s13;
	s12 =	sadd.s32 s16, s12  }
0x13: {  	[hbm4b:s12+s13] =	stream.strided.scatter [tilespmem:s14], [sflag:$0x2], $0x2000, s8, s13, $0x20;
	[tilespmem:$0x8080] =	vst v63  }
.LBB1_5:
0x14: {  	s14 =	sadd.s32 $0x1, s9  }
0x15: {  	s12 =	sadd.s32 $0x1000, s10;
	s16 =	smov.u32 s10;
	p2 =	sgt.s32 s14, $0xC7  }
0x16: {  	s16 =	smov.u32 @p2 s12  }
0x17: {  	s14 =	simm.s32 @p2 $0x0;
	p2 =	sgt.s32 s16, $0xFFF  }
0x18: {  	s16 =	smov.u32 @p2 s2;
	p2 =	sne.s32 s11, s7  }
.Ltmp1:
0x19: {  	p1 =	slt.u32 s11, $0x2;
	(pc) =	sbr.rel @!p2 .LBB1_6-.Ltmp1, $4  }
0x1a: {  	s15 =	simm.s32 @!p1 $0x2  }
0x1b: {  	s13 =	smov.u32 s10;
	p0 =	por !p0, !p0;
	_ =	swait.ge @!p1 [sflag:s15], $0x2000  }
0x1c: {  	s12 =	smov.u32 s9;
	[sflag:s15] =	ssyncset.done @!p1 $0x0;
	s9 =	smov.u32 s14  }
0x1d: {  	s11 =	sadd.s32 $0x1, s11;
	[sflag:s15] =	ssyncadd.s32 @!p1 $0xFFFFE000;
	s10 =	smov.u32 s16  }
.LBB1_1:
0x1e: {  	p1 =	sge.u32 s11, s5  }
0x1f: {  	s14 =	sand.u32 @!p1 $0x1FFFFFF, s9  }
0x20: {  	s15 =	smulhi.u32 @!p1 $0x147AE15, s14;
	_ =	sdelay $0x1  }
0x21: {  	s15 =	smul.u32 @!p1 $0xC8, s15  }
0x22: {  	s16 =	sxor.u32 @!p1 $0xFFFFFFFF, s11;
	s17 =	smul.u32 @!p1 $0xC80, s10  }
0x23: {  	s31 =	sadd.s32 $0xFFFFFFFF, s11;
	s16 =	sshll.u32 @!p1 s16, $0xD;
	s14 =	ssub.s32 @!p1 s14, s15  }
0x24: {  	s15 =	sand.u32 @!p1 $0x2000, s16;
	s16 =	sadd.s32 @!p1 s6, s17;
	s14 =	sshll.u32 @!p1 s14, $0x4  }
0x25: {  	s17 =	simm.s32 @!p1 $0x6400;
	s14 =	sadd.s32 @!p1 s14, s16;
	s16 =	simm.s32 @!p1 $0x40  }
0x26: {  	[tilespmem:s15], [sflag:$0x1] =	stream.strided.gather @!p1 [hbm4b:s14+s16], $0x2000, s17, s16, $0x38;
	[tilespmem:$0x8080] =	vst v63  }
0x27: {  	p1 =	sge.u32 s31, s5  }
.Ltmp2:
0x28: {  	_ = 	snop;
	(pc) =	sbr.rel @p1 .LBB1_5-.Ltmp2, $1  }
0x29: {  	_ =	sdelay $0x3  }
0x2a: {  	s14 =	simm.s32 $0x1  }
0x2b: {  	_ =	swait.ge [sflag:s4], $0x2000;
	s14 =	simm.s32 @!p0 $0x0  }
0x2c: {  	[sflag:s4] =	ssyncset.done $0x0;
	s15 =	sshll.u32 s14, $0xD  }
0x2d: {  	[sflag:s4] =	ssyncadd.s32 $0xFFFFE000;
	s18 =	sor.u32 $0x20, s15  }
0x2e: {  	s14 =	smul.u32 $0x8100, s14;
	v3 =	vld [tilespmem:s18+$0x10]  }
0x2f: {  	s30 =	sand.u32 $0x1, s11;
	v2 =	vld [tilespmem:s18+$0xFFFFFFF0]  }
0x30: {  	s15 =	smul.u32 $0x8100, s30;
	s14 =	sshrl.u32 s14, $0x2;
	v0 =	vld [tilespmem:s18+$0x0]  }
0x31: {  	v1 =	vld [tilespmem:s18+$0xFFFFFFE0];
	s16 =	sor.u32 $0x4000, s14  }
0x32: {  	s31 =	sshrl.u32 s15, $0x2;
	s15 =	sadd.s32 $0x0, s16  }
0x33: {  	s17 =	simm.s32 $0x4;
	s18 =	sadd.s32 $0x40, s18;
	s14 =	sor.u32 $0x4000, s31;
	[tilespmem:s15+$0x1830 ss:$0x81] =	vst.msk $0xffff, v3  }
.LBB1_3:
0x34: {  	v3 =	vld [tilespmem:s18+$0x10];
	p1 =	sne.s32 s17, $0x1FC;
	[tilespmem:s15+$0x810 ss:$0x81] =	vst.msk $0xffff, v2;
	s19 =	smov.u32 s17;
	s17 =	sadd.s32 $0x4, s17  }
.Ltmp3:
0x35: {  	v2 =	vld [tilespmem:s18+$0xFFFFFFF0];
	[tilespmem:s15+$0x1020 ss:$0x81] =	vst.msk $0xffff, v0;
	(pc) =	sbr.rel @p1 .LBB1_3-.Ltmp3, $4  }
0x36: {  	v0 =	vld [tilespmem:s18+$0x0];
	[tilespmem:s15+$0x0 ss:$0x81] =	vst.msk $0xffff, v1  }
0x37: {  	s15 =	sshra.s32 s19, $0x2;
	v1 =	vld [tilespmem:s18+$0xFFFFFFE0]  }
0x38: {  	s15 =	sadd.s32 s15, s16  }
0x39: {  	s18 =	sadd.s32 $0x40, s18;
	[tilespmem:s15+$0x1830 ss:$0x81] =	vst.msk $0xffff, v3  }
.Ltmp4:
0x3a: {  	_ = 	snop;
	(pc) =	sbr.rel .LBB1_4-.Ltmp4, $1  }
0x3b: {  	_ =	sdelay $0x3  }
.LBB1_6:
0x3c: {  	_ =	sfence.sel $0x180000  }
0x3d: {  	s2 =	simm.s32 $0x1;
	[bflag:$0x0] =	sbarrier.arrive $0xFFFF  }
0x3e: {  	s31 =	simm.s32 $0x2;
	[sflag:s2] =	ssyncpa.u1 $0x1  }
0x3f: {  	[sflag:s31] =	ssyncpa.u1 $0x1  }
0x40: {  	p0 =	sne.s32 s0, $0x0;
	_ =	strace $0x9000004A  }
0x41: {  	s0 =	sadd.s32 @!p0 $0x100000, s1;
	[bflag:$0x2] =	sbarrier.arrive $0xFFFF  }
0x42: {  	[sflag:s0] =	ssyncadd.tile.s32 @!p0 $0x1;
	_ =	shalt  }
.Lfunc_end1:
_tile_overlayer_lowered:
.L_overlay_start_2:
0x43: {  	(tag) =	ssettag $0x2  }
0x44: {  	s0 =	rddreg [dreg:$0x0];
	s2 =	stileid.u32  }
0x45: {  	s1 =	rddreg [dreg:$0x1];
	p0 =	sne.s32 s2, $0x0  }
0x46: {  	s3 =	rddreg [dreg:$0x2];
	[bflag:$0x3] =	sbarrier.arrive $0xFFFF;
	s2 =	simm.s32 @!p0 $0x1C01  }
0x47: {  	[timem:s3], [sflag:s2] =	dma.local @!p0 [hbm:s0], s1  }
0x48: {  	s0 =	simm.s32 @!p0 $0x1  }
0x49: {  	_ =	swait.ge @!p0 [sflag:s0], s1  }
0x4a: {  	s1 =	ssub.s32 @!p0 $0x0, s1;
	[sflag:s0] =	ssyncset.done @!p0 $0x0  }
0x4b: {  	[sflag:s0] =	ssyncadd.s32 @!p0 s1  }
0x4c: {  	[bflag:$0x3] =	sbarrier.arrive $0xFFFF  }
0x4d: {  	_ =	shalt  }

</sc_bundles>
